<compile_context>
chip_gen: v7x
topology: tpu7x:2x2x1
jax: 0.10.2.dev20260603
libtpu: 0.0.44.dev20260713+nightly
codegen_flags: <defaults>
</compile_context>

<pallas_src>
import functools

import jax
import jax.numpy as jnp
from jax import lax
from jax.experimental import pallas as pl
from jax.experimental.pallas import tpu as pltpu
from jax.experimental.pallas import tpu_sc as plsc

_DIM = 32
_SEQ = 50
_BATCH = 4096
_B = _BATCH * _SEQ
_NW = 32
_C = 128
_NB = 2

_mesh = plsc.VectorSubcoreMesh(core_axis_name="c", subcore_axis_name="s")


@functools.partial(
    pl.kernel,
    mesh=_mesh,
    out_type=jax.ShapeDtypeStruct((_SEQ, _DIM // 8, _BATCH // _C, 8, _C), jnp.float32),
    scratch_types=[
        pltpu.VMEM((_SEQ * _C,), jnp.int32),
        pltpu.VMEM((_SEQ * _C,), jnp.int32),
        pltpu.VMEM((3, _C, _DIM), jnp.float32),
        pltpu.VMEM((_NB, _DIM // 8, 8, _C), jnp.float32),
        pltpu.SemaphoreType.DMA,
        pltpu.SemaphoreType.DMA,
    ],
    compiler_params=pltpu.CompilerParams(use_tc_tiling_on_sc=False, needs_layout_passes=False),
)
def _emb(table_hbm, idx_hbm, out_hbm, idx_v, cidx_v, rows_v, trans_v, gsem, wsem):
    wid = lax.axis_index("s") * 2 + lax.axis_index("c")
    npw = _SEQ * _C
    pltpu.sync_copy(idx_hbm.at[pl.ds(pl.multiple_of(wid * npw, npw), npw)], idx_v)

    iota = jnp.arange(16, dtype=jnp.int32)
    iota50 = iota * _SEQ
    iota128 = iota * _C
    chi = lax.shift_right_logical(iota, 3)
    clo = lax.bitwise_and(iota, 7)

    def regroup(t, carry):
        for g in range(8):
            vals = plsc.load_gather(idx_v, [iota50 + (t + 800 * g)])
            cidx_v[pl.ds(t * _C + 16 * g, 16)] = vals
        return carry

    lax.fori_loop(0, _SEQ, regroup, 0)

    def fire_gather(t):
        pltpu.async_copy(
            table_hbm.at[cidx_v.at[pl.ds(t * _C, _C)]],
            rows_v.at[lax.rem(t, 3)],
            gsem,
        )

    def wait_gather(b):
        pltpu.make_async_copy(
            table_hbm.at[pl.ds(0, _C)], rows_v.at[b], gsem
        ).wait()

    def wait_one_write():
        pltpu.make_async_copy(
            trans_v.at[0], out_hbm.at[0, :, 0], wsem
        ).wait()

    fire_gather(0)
    fire_gather(1)

    def step(t, carry):
        b = lax.rem(t, 3)
        wait_gather(b)

        @pl.when(t + 2 < _SEQ)
        def _fire_next():
            fire_gather(t + 2)

        @pl.when(t >= _NB)
        def _retire():
            wait_one_write()

        rows = rows_v.at[b]
        tr = trans_v.at[lax.rem(t, _NB)]

        def tpose(q, c2):
            for u in range(4):
                bl = q * 4 + u
                blv = jnp.full((16,), bl, jnp.int32)
                g0 = rows[bl, pl.ds(0, 16)]
                g1 = rows[bl, pl.ds(16, 16)]
                plsc.store_scatter(tr, [chi, clo, blv], g0)
                plsc.store_scatter(tr, [chi + 2, clo, blv], g1)
            return c2

        lax.fori_loop(0, _C // 4, tpose, 0)
        pltpu.async_copy(trans_v.at[lax.rem(t, _NB)], out_hbm.at[t, :, wid], wsem)
        return carry

    lax.fori_loop(0, _SEQ, step, 0)

    for _ in range(_NB):
        wait_one_write()


@jax.jit
def kernel(inputs, e):
    idx = inputs.reshape(_B).astype(jnp.int32)
    out5 = _emb(e, idx)
    return out5.transpose(2, 4, 0, 1, 3).reshape(_BATCH, _SEQ, _DIM)

# --- scband reference (transcript-rebuilt; emitter-appended) ---
"""Pipeline reference for scband-embedding-69114613727711 (READ-ONLY COPY).

The authoritative reference and input builder live on the scoring server;
editing this copy changes nothing except your own understanding.
"""

import jax, jax.numpy as jnp
import numpy as np

VOC_SIZE = 1000000
DIM = 32
SCALE = 0.1

def setup_inputs(seed: int = 0) -> dict:
    key = jax.random.key(seed)
    k_idx, k_tab = jax.random.split(key)
    inputs = jax.random.randint(k_idx, (4096, 50), 0, VOC_SIZE, dtype=jnp.int64 if jax.config.jax_enable_x64 else jnp.int32)
    # truncated-normal init with stddev=scale, matching tf.keras.initializers.TruncatedNormal
    e = jax.random.truncated_normal(k_tab, -2.0, 2.0, (VOC_SIZE, DIM), dtype=jnp.float32) * SCALE
    return {"inputs": inputs, "e": e}

def reference(inputs, e):
    # tf.nn.embedding_lookup(self.e, inputs)
    return jnp.take(e, inputs, axis=0)

if __name__ == "__main__":
    import jax
    _d = setup_inputs()
    print(jax.jit(kernel)(*tuple(_d.values())))

</pallas_src>

<mosaic_0001>
#map = affine_map<(d0, d1) -> (0, 0)>
#map1 = affine_map<(d0, d1) -> (0)>
#map2 = affine_map<(d0, d1) -> (0, 0, 0, 0, 0)>
module attributes {stable_mosaic.version = 14 : i64} {
  func.func @_emb(%arg0: i32, %arg1: i32, %arg2: memref<1000000x32xf32, #tpu.memory_space<hbm>>, %arg3: memref<204800xi32, #tpu.memory_space<hbm>>, %arg4: memref<50x4x32x8x128xf32, #tpu.memory_space<hbm>>, %arg5: memref<6400xi32, #tpu.memory_space<vmem>>, %arg6: memref<6400xi32, #tpu.memory_space<vmem>>, %arg7: memref<3x128x32xf32, #tpu.memory_space<vmem>>, %arg8: memref<2x4x8x128xf32, #tpu.memory_space<vmem>>, %arg9: memref<!tpu.dma_semaphore, #tpu.memory_space<semaphore_mem>>, %arg10: memref<!tpu.dma_semaphore, #tpu.memory_space<semaphore_mem>>) attributes {dimension_semantics = [#tpu.dimension_semantics<core_parallel>, #tpu.dimension_semantics<subcore_parallel>], iteration_bounds = array<i64: 2, 16>, scalar_prefetch = 0 : i64, scratch_operands = 6 : i64, tpu.core_type = #tpu.core_type<sc_vector_subcore>, window_params = [{transform_indices = #map}, {transform_indices = #map1}, {transform_indices = #map2}]} {
    %mul3A = arith.constant 2 : i32
    %mul3A_0 = arith.muli %arg1, %mul3A : i32
    %add3A = arith.addi %mul3A_0, %arg0 : i32
    %mul3A_1 = arith.constant 6400 : i32
    %mul3A_2 = arith.muli %add3A, %mul3A_1 : i32
    %multiple_of3A = tpu.assume_multiple %mul3A_2, 6400 : i32
    "tpu.region"() ({
      %run_scoped3A = tpu.sem_alloc : memref<!tpu.dma_semaphore, #tpu.memory_space<semaphore_mem>>
      %dma_start3A_91 = tpu.memref_slice %arg3[%multiple_of3A] : memref<204800xi32, #tpu.memory_space<hbm>> -> memref<6400xi32, #tpu.memory_space<hbm>>
      %dma_start3A_92 = tpu.memref_slice %arg3[%multiple_of3A] : memref<204800xi32, #tpu.memory_space<hbm>> -> memref<6400xi32, #tpu.memory_space<hbm>>
      tpu.enqueue_dma source(%dma_start3A_92 : memref<6400xi32, #tpu.memory_space<hbm>>) target(%arg5 : memref<6400xi32, #tpu.memory_space<vmem>>) target_semaphore(%run_scoped3A : memref<!tpu.dma_semaphore, #tpu.memory_space<semaphore_mem>>)
      %dma_wait3A_93 = tpu.memref_slice %arg3[%multiple_of3A] : memref<204800xi32, #tpu.memory_space<hbm>> -> memref<6400xi32, #tpu.memory_space<hbm>>
      %dma_wait3A_94 = tpu.memref_slice %arg3[%multiple_of3A] : memref<204800xi32, #tpu.memory_space<hbm>> -> memref<6400xi32, #tpu.memory_space<hbm>>
      tpu.wait_dma2 semaphore(%run_scoped3A : memref<!tpu.dma_semaphore, #tpu.memory_space<semaphore_mem>>) src(%dma_wait3A_94 : memref<6400xi32, #tpu.memory_space<hbm>>) dst(%arg5 : memref<6400xi32, #tpu.memory_space<vmem>>)
      tpu.yield
    }) : () -> ()
    %iota3A = tpu.iota {dimensions = array<i32: 0>} : vector<16xi32>
    %mul3A_3 = arith.constant 50 : i32
    %mul3A_4 = vector.broadcast %mul3A_3 : i32 to vector<16xi32>
    %mul3A_5 = arith.muli %iota3A, %mul3A_4 : vector<16xi32>
    %mul3A_6 = arith.constant 128 : i32
    %mul3A_7 = vector.broadcast %mul3A_6 : i32 to vector<16xi32>
    %mul3A_8 = arith.muli %iota3A, %mul3A_7 : vector<16xi32>
    %shift_right_logical3A = arith.constant 3 : i32
    %shift_right_logical3A_9 = vector.broadcast %shift_right_logical3A : i32 to vector<16xi32>
    %shift_right_logical3A_10 = arith.shrui %iota3A, %shift_right_logical3A_9 : vector<16xi32>
    %and3A = arith.constant 7 : i32
    %and3A_11 = vector.broadcast %and3A : i32 to vector<16xi32>
    %and3A_12 = arith.andi %iota3A, %and3A_11 : vector<16xi32>
    %scan3A = arith.constant 0 : i32
    %scan3A_13 = arith.constant 0 : i32
    %scan3A_14 = arith.constant 50 : i32
    %scan3A_15 = arith.addi %scan3A_13, %scan3A_14 : i32
    %scan3A_16 = arith.constant 1 : i32
    scf.for %scan3A_91 = %scan3A_13 to %scan3A_15 step %scan3A_16  : i32 {
      %add3A_92 = arith.constant 0 : i32
      %add3A_93 = arith.addi %scan3A_91, %add3A_92 : i32
      %add3A_94 = vector.broadcast %add3A_93 : i32 to vector<16xi32>
      %add3A_95 = arith.addi %mul3A_5, %add3A_94 : vector<16xi32>
      %gather3A = tpu.vector_load_idx %arg5[%add3A_95] : memref<6400xi32, #tpu.memory_space<vmem>>[vector<16xi32>], vector<16xi32>,
      %mul3A_96 = arith.constant 128 : i32
      %mul3A_97 = arith.muli %scan3A_91, %mul3A_96 : i32
      %add3A_98 = arith.constant 0 : i32
      %add3A_99 = arith.addi %mul3A_97, %add3A_98 : i32
      %swap3A = arith.index_cast %add3A_99 : i32 to index
      %swap3A_100 = tpu.vector_load %arg6[%swap3A] {strides = array<i32>} : memref<6400xi32, #tpu.memory_space<vmem>>, vector<16xi32>,
      tpu.vector_store %arg6[%swap3A], %gather3A {strides = array<i32>} : memref<6400xi32, #tpu.memory_space<vmem>>, vector<16xi32>,
      %add3A_101 = arith.constant 800 : i32
      %add3A_102 = arith.addi %scan3A_91, %add3A_101 : i32
      %add3A_103 = vector.broadcast %add3A_102 : i32 to vector<16xi32>
      %add3A_104 = arith.addi %mul3A_5, %add3A_103 : vector<16xi32>
      %gather3A_105 = tpu.vector_load_idx %arg5[%add3A_104] : memref<6400xi32, #tpu.memory_space<vmem>>[vector<16xi32>], vector<16xi32>,
      %mul3A_106 = arith.constant 128 : i32
      %mul3A_107 = arith.muli %scan3A_91, %mul3A_106 : i32
      %add3A_108 = arith.constant 16 : i32
      %add3A_109 = arith.addi %mul3A_107, %add3A_108 : i32
      %swap3A_110 = arith.index_cast %add3A_109 : i32 to index
      %swap3A_111 = tpu.vector_load %arg6[%swap3A_110] {strides = array<i32>} : memref<6400xi32, #tpu.memory_space<vmem>>, vector<16xi32>,
      tpu.vector_store %arg6[%swap3A_110], %gather3A_105 {strides = array<i32>} : memref<6400xi32, #tpu.memory_space<vmem>>, vector<16xi32>,
      %add3A_112 = arith.constant 1600 : i32
      %add3A_113 = arith.addi %scan3A_91, %add3A_112 : i32
      %add3A_114 = vector.broadcast %add3A_113 : i32 to vector<16xi32>
      %add3A_115 = arith.addi %mul3A_5, %add3A_114 : vector<16xi32>
      %gather3A_116 = tpu.vector_load_idx %arg5[%add3A_115] : memref<6400xi32, #tpu.memory_space<vmem>>[vector<16xi32>], vector<16xi32>,
      %mul3A_117 = arith.constant 128 : i32
      %mul3A_118 = arith.muli %scan3A_91, %mul3A_117 : i32
      %add3A_119 = arith.constant 32 : i32
      %add3A_120 = arith.addi %mul3A_118, %add3A_119 : i32
      %swap3A_121 = arith.index_cast %add3A_120 : i32 to index
      %swap3A_122 = tpu.vector_load %arg6[%swap3A_121] {strides = array<i32>} : memref<6400xi32, #tpu.memory_space<vmem>>, vector<16xi32>,
      tpu.vector_store %arg6[%swap3A_121], %gather3A_116 {strides = array<i32>} : memref<6400xi32, #tpu.memory_space<vmem>>, vector<16xi32>,
      %add3A_123 = arith.constant 2400 : i32
      %add3A_124 = arith.addi %scan3A_91, %add3A_123 : i32
      %add3A_125 = vector.broadcast %add3A_124 : i32 to vector<16xi32>
      %add3A_126 = arith.addi %mul3A_5, %add3A_125 : vector<16xi32>
      %gather3A_127 = tpu.vector_load_idx %arg5[%add3A_126] : memref<6400xi32, #tpu.memory_space<vmem>>[vector<16xi32>], vector<16xi32>,
      %mul3A_128 = arith.constant 128 : i32
      %mul3A_129 = arith.muli %scan3A_91, %mul3A_128 : i32
      %add3A_130 = arith.constant 48 : i32
      %add3A_131 = arith.addi %mul3A_129, %add3A_130 : i32
      %swap3A_132 = arith.index_cast %add3A_131 : i32 to index
      %swap3A_133 = tpu.vector_load %arg6[%swap3A_132] {strides = array<i32>} : memref<6400xi32, #tpu.memory_space<vmem>>, vector<16xi32>,
      tpu.vector_store %arg6[%swap3A_132], %gather3A_127 {strides = array<i32>} : memref<6400xi32, #tpu.memory_space<vmem>>, vector<16xi32>,
      %add3A_134 = arith.constant 3200 : i32
      %add3A_135 = arith.addi %scan3A_91, %add3A_134 : i32
      %add3A_136 = vector.broadcast %add3A_135 : i32 to vector<16xi32>
      %add3A_137 = arith.addi %mul3A_5, %add3A_136 : vector<16xi32>
      %gather3A_138 = tpu.vector_load_idx %arg5[%add3A_137] : memref<6400xi32, #tpu.memory_space<vmem>>[vector<16xi32>], vector<16xi32>,
      %mul3A_139 = arith.constant 128 : i32
      %mul3A_140 = arith.muli %scan3A_91, %mul3A_139 : i32
      %add3A_141 = arith.constant 64 : i32
      %add3A_142 = arith.addi %mul3A_140, %add3A_141 : i32
      %swap3A_143 = arith.index_cast %add3A_142 : i32 to index
      %swap3A_144 = tpu.vector_load %arg6[%swap3A_143] {strides = array<i32>} : memref<6400xi32, #tpu.memory_space<vmem>>, vector<16xi32>,
      tpu.vector_store %arg6[%swap3A_143], %gather3A_138 {strides = array<i32>} : memref<6400xi32, #tpu.memory_space<vmem>>, vector<16xi32>,
      %add3A_145 = arith.constant 4000 : i32
      %add3A_146 = arith.addi %scan3A_91, %add3A_145 : i32
      %add3A_147 = vector.broadcast %add3A_146 : i32 to vector<16xi32>
      %add3A_148 = arith.addi %mul3A_5, %add3A_147 : vector<16xi32>
      %gather3A_149 = tpu.vector_load_idx %arg5[%add3A_148] : memref<6400xi32, #tpu.memory_space<vmem>>[vector<16xi32>], vector<16xi32>,
      %mul3A_150 = arith.constant 128 : i32
      %mul3A_151 = arith.muli %scan3A_91, %mul3A_150 : i32
      %add3A_152 = arith.constant 80 : i32
      %add3A_153 = arith.addi %mul3A_151, %add3A_152 : i32
      %swap3A_154 = arith.index_cast %add3A_153 : i32 to index
      %swap3A_155 = tpu.vector_load %arg6[%swap3A_154] {strides = array<i32>} : memref<6400xi32, #tpu.memory_space<vmem>>, vector<16xi32>,
      tpu.vector_store %arg6[%swap3A_154], %gather3A_149 {strides = array<i32>} : memref<6400xi32, #tpu.memory_space<vmem>>, vector<16xi32>,
      %add3A_156 = arith.constant 4800 : i32
      %add3A_157 = arith.addi %scan3A_91, %add3A_156 : i32
      %add3A_158 = vector.broadcast %add3A_157 : i32 to vector<16xi32>
      %add3A_159 = arith.addi %mul3A_5, %add3A_158 : vector<16xi32>
      %gather3A_160 = tpu.vector_load_idx %arg5[%add3A_159] : memref<6400xi32, #tpu.memory_space<vmem>>[vector<16xi32>], vector<16xi32>,
      %mul3A_161 = arith.constant 128 : i32
      %mul3A_162 = arith.muli %scan3A_91, %mul3A_161 : i32
      %add3A_163 = arith.constant 96 : i32
      %add3A_164 = arith.addi %mul3A_162, %add3A_163 : i32
      %swap3A_165 = arith.index_cast %add3A_164 : i32 to index
      %swap3A_166 = tpu.vector_load %arg6[%swap3A_165] {strides = array<i32>} : memref<6400xi32, #tpu.memory_space<vmem>>, vector<16xi32>,
      tpu.vector_store %arg6[%swap3A_165], %gather3A_160 {strides = array<i32>} : memref<6400xi32, #tpu.memory_space<vmem>>, vector<16xi32>,
      %add3A_167 = arith.constant 5600 : i32
      %add3A_168 = arith.addi %scan3A_91, %add3A_167 : i32
      %add3A_169 = vector.broadcast %add3A_168 : i32 to vector<16xi32>
      %add3A_170 = arith.addi %mul3A_5, %add3A_169 : vector<16xi32>
      %gather3A_171 = tpu.vector_load_idx %arg5[%add3A_170] : memref<6400xi32, #tpu.memory_space<vmem>>[vector<16xi32>], vector<16xi32>,
      %mul3A_172 = arith.constant 128 : i32
      %mul3A_173 = arith.muli %scan3A_91, %mul3A_172 : i32
      %add3A_174 = arith.constant 112 : i32
      %add3A_175 = arith.addi %mul3A_173, %add3A_174 : i32
      %swap3A_176 = arith.index_cast %add3A_175 : i32 to index
      %swap3A_177 = tpu.vector_load %arg6[%swap3A_176] {strides = array<i32>} : memref<6400xi32, #tpu.memory_space<vmem>>, vector<16xi32>,
      tpu.vector_store %arg6[%swap3A_176], %gather3A_171 {strides = array<i32>} : memref<6400xi32, #tpu.memory_space<vmem>>, vector<16xi32>,
    }
    %scan3A_17 = arith.constant 50 : i32
    %rem3A = arith.constant 0 : i32
    %rem3A_18 = arith.constant 3 : i32
    %rem3A_19 = arith.remsi %rem3A, %rem3A_18 : i32
    %dma_start3A = arith.constant 0 : i32
    %dma_start3A_20 = arith.constant 0 : i32
    %dma_start3A_21 = tpu.memref_slice %arg7[%rem3A_19, %dma_start3A, %dma_start3A_20] : memref<3x128x32xf32, #tpu.memory_space<vmem>> -> memref<1x128x32xf32, #tpu.memory_space<vmem>>
    %dma_start3A_22 = tpu.memref_squeeze %dma_start3A_21 : memref<1x128x32xf32, #tpu.memory_space<vmem>> -> memref<128x32xf32, #tpu.memory_space<vmem>>
    %dma_start3A_23 = arith.constant 0 : i32
    %dma_start3A_24 = tpu.memref_slice %arg6[%dma_start3A_23] : memref<6400xi32, #tpu.memory_space<vmem>> -> memref<128xi32, #tpu.memory_space<vmem>>
    %dma_start3A_25 = arith.constant 0 : i32
    %dma_start3A_26 = arith.constant 0 : i32
    %dma_start3A_27 = tpu.memref_slice %arg2[%dma_start3A_25, %dma_start3A_26] : memref<1000000x32xf32, #tpu.memory_space<hbm>> -> memref<1000000x32xf32, #tpu.memory_space<hbm>>
    tpu.enqueue_indirect_dma source(%dma_start3A_27 : memref<1000000x32xf32, #tpu.memory_space<hbm>>) target(%dma_start3A_22 : memref<128x32xf32, #tpu.memory_space<vmem>>) offsets(%dma_start3A_24 : memref<128xi32, #tpu.memory_space<vmem>>) semaphore(%arg9 : memref<!tpu.dma_semaphore, #tpu.memory_space<semaphore_mem>>)
    %rem3A_28 = arith.constant 1 : i32
    %rem3A_29 = arith.constant 3 : i32
    %rem3A_30 = arith.remsi %rem3A_28, %rem3A_29 : i32
    %dma_start3A_31 = arith.constant 0 : i32
    %dma_start3A_32 = arith.constant 0 : i32
    %dma_start3A_33 = tpu.memref_slice %arg7[%rem3A_30, %dma_start3A_31, %dma_start3A_32] : memref<3x128x32xf32, #tpu.memory_space<vmem>> -> memref<1x128x32xf32, #tpu.memory_space<vmem>>
    %dma_start3A_34 = tpu.memref_squeeze %dma_start3A_33 : memref<1x128x32xf32, #tpu.memory_space<vmem>> -> memref<128x32xf32, #tpu.memory_space<vmem>>
    %dma_start3A_35 = arith.constant 128 : i32
    %dma_start3A_36 = tpu.memref_slice %arg6[%dma_start3A_35] : memref<6400xi32, #tpu.memory_space<vmem>> -> memref<128xi32, #tpu.memory_space<vmem>>
    %dma_start3A_37 = arith.constant 0 : i32
    %dma_start3A_38 = arith.constant 0 : i32
    %dma_start3A_39 = tpu.memref_slice %arg2[%dma_start3A_37, %dma_start3A_38] : memref<1000000x32xf32, #tpu.memory_space<hbm>> -> memref<1000000x32xf32, #tpu.memory_space<hbm>>
    tpu.enqueue_indirect_dma source(%dma_start3A_39 : memref<1000000x32xf32, #tpu.memory_space<hbm>>) target(%dma_start3A_34 : memref<128x32xf32, #tpu.memory_space<vmem>>) offsets(%dma_start3A_36 : memref<128xi32, #tpu.memory_space<vmem>>) semaphore(%arg9 : memref<!tpu.dma_semaphore, #tpu.memory_space<semaphore_mem>>)
    %scan3A_40 = arith.constant 0 : i32
    %scan3A_41 = arith.constant 0 : i32
    %scan3A_42 = arith.constant 50 : i32
    %scan3A_43 = arith.addi %scan3A_41, %scan3A_42 : i32
    %scan3A_44 = arith.constant 1 : i32
    scf.for %scan3A_91 = %scan3A_41 to %scan3A_43 step %scan3A_44  : i32 {
      %rem3A_92 = arith.constant 3 : i32
      %rem3A_93 = arith.remsi %scan3A_91, %rem3A_92 : i32
      %dma_wait3A_94 = arith.constant 0 : i32
      %dma_wait3A_95 = arith.constant 0 : i32
      %dma_wait3A_96 = tpu.memref_slice %arg7[%rem3A_93, %dma_wait3A_94, %dma_wait3A_95] : memref<3x128x32xf32, #tpu.memory_space<vmem>> -> memref<1x128x32xf32, #tpu.memory_space<vmem>>
      %dma_wait3A_97 = tpu.memref_squeeze %dma_wait3A_96 : memref<1x128x32xf32, #tpu.memory_space<vmem>> -> memref<128x32xf32, #tpu.memory_space<vmem>>
      %dma_wait3A_98 = arith.constant 0 : i32
      %dma_wait3A_99 = arith.constant 0 : i32
      %dma_wait3A_100 = tpu.memref_slice %arg2[%dma_wait3A_98, %dma_wait3A_99] : memref<1000000x32xf32, #tpu.memory_space<hbm>> -> memref<128x32xf32, #tpu.memory_space<hbm>>
      %dma_wait3A_101 = arith.constant 0 : i32
      %dma_wait3A_102 = arith.constant 0 : i32
      %dma_wait3A_103 = tpu.memref_slice %arg7[%rem3A_93, %dma_wait3A_101, %dma_wait3A_102] : memref<3x128x32xf32, #tpu.memory_space<vmem>> -> memref<1x128x32xf32, #tpu.memory_space<vmem>>
      %dma_wait3A_104 = tpu.memref_squeeze %dma_wait3A_103 : memref<1x128x32xf32, #tpu.memory_space<vmem>> -> memref<128x32xf32, #tpu.memory_space<vmem>>
      %dma_wait3A_105 = arith.constant 0 : i32
      %dma_wait3A_106 = arith.constant 0 : i32
      %dma_wait3A_107 = tpu.memref_slice %arg2[%dma_wait3A_105, %dma_wait3A_106] : memref<1000000x32xf32, #tpu.memory_space<hbm>> -> memref<128x32xf32, #tpu.memory_space<hbm>>
      tpu.wait_dma2 semaphore(%arg9 : memref<!tpu.dma_semaphore, #tpu.memory_space<semaphore_mem>>) src(%dma_wait3A_107 : memref<128x32xf32, #tpu.memory_space<hbm>>) dst(%dma_wait3A_104 : memref<128x32xf32, #tpu.memory_space<vmem>>)
      %add3A_108 = arith.constant 2 : i32
      %add3A_109 = arith.addi %scan3A_91, %add3A_108 : i32
      %lt3A = arith.constant 50 : i32
      %lt3A_110 = arith.cmpi slt, %add3A_109, %lt3A : i32
      %convert_element_type3A = arith.extui %lt3A_110 : i1 to i32
      %cond3A = arith.constant 0 : i32
      %cond3A_111 = arith.cmpi ne, %convert_element_type3A, %cond3A : i32
      scf.if %cond3A_111 {
        %add3A_146 = arith.constant 2 : i32
        %add3A_147 = arith.addi %scan3A_91, %add3A_146 : i32
        %mul3A_148 = arith.constant 128 : i32
        %mul3A_149 = arith.muli %add3A_147, %mul3A_148 : i32
        %rem3A_150 = arith.constant 3 : i32
        %rem3A_151 = arith.remsi %add3A_147, %rem3A_150 : i32
        %dma_start3A_152 = arith.constant 0 : i32
        %dma_start3A_153 = arith.constant 0 : i32
        %dma_start3A_154 = tpu.memref_slice %arg7[%rem3A_151, %dma_start3A_152, %dma_start3A_153] : memref<3x128x32xf32, #tpu.memory_space<vmem>> -> memref<1x128x32xf32, #tpu.memory_space<vmem>>
        %dma_start3A_155 = tpu.memref_squeeze %dma_start3A_154 : memref<1x128x32xf32, #tpu.memory_space<vmem>> -> memref<128x32xf32, #tpu.memory_space<vmem>>
        %dma_start3A_156 = tpu.memref_slice %arg6[%mul3A_149] : memref<6400xi32, #tpu.memory_space<vmem>> -> memref<128xi32, #tpu.memory_space<vmem>>
        %dma_start3A_157 = arith.constant 0 : i32
        %dma_start3A_158 = arith.constant 0 : i32
        %dma_start3A_159 = tpu.memref_slice %arg2[%dma_start3A_157, %dma_start3A_158] : memref<1000000x32xf32, #tpu.memory_space<hbm>> -> memref<1000000x32xf32, #tpu.memory_space<hbm>>
        tpu.enqueue_indirect_dma source(%dma_start3A_159 : memref<1000000x32xf32, #tpu.memory_space<hbm>>) target(%dma_start3A_155 : memref<128x32xf32, #tpu.memory_space<vmem>>) offsets(%dma_start3A_156 : memref<128xi32, #tpu.memory_space<vmem>>) semaphore(%arg9 : memref<!tpu.dma_semaphore, #tpu.memory_space<semaphore_mem>>)
      } else {
      }
      %ge3A = arith.constant 2 : i32
      %ge3A_112 = arith.cmpi sge, %scan3A_91, %ge3A : i32
      %convert_element_type3A_113 = arith.extui %ge3A_112 : i1 to i32
      %cond3A_114 = arith.constant 0 : i32
      %cond3A_115 = arith.cmpi ne, %convert_element_type3A_113, %cond3A_114 : i32
      scf.if %cond3A_115 {
        %dma_wait3A_146 = arith.constant 0 : i32
        %dma_wait3A_147 = arith.constant 0 : i32
        %dma_wait3A_148 = arith.constant 0 : i32
        %dma_wait3A_149 = arith.constant 0 : i32
        %dma_wait3A_150 = arith.constant 0 : i32
        %dma_wait3A_151 = arith.constant 0 : i32
        %dma_wait3A_152 = tpu.memref_slice %arg8[%dma_wait3A_146, %dma_wait3A_149, %dma_wait3A_150, %dma_wait3A_151] : memref<2x4x8x128xf32, #tpu.memory_space<vmem>> -> memref<1x4x8x128xf32, #tpu.memory_space<vmem>>
        %dma_wait3A_153 = tpu.memref_squeeze %dma_wait3A_152 : memref<1x4x8x128xf32, #tpu.memory_space<vmem>> -> memref<4x8x128xf32, #tpu.memory_space<vmem>>
        %dma_wait3A_154 = arith.constant 0 : i32
        %dma_wait3A_155 = arith.constant 0 : i32
        %dma_wait3A_156 = arith.constant 0 : i32
        %dma_wait3A_157 = tpu.memref_slice %arg4[%dma_wait3A_147, %dma_wait3A_154, %dma_wait3A_148, %dma_wait3A_155, %dma_wait3A_156] : memref<50x4x32x8x128xf32, #tpu.memory_space<hbm>> -> memref<1x4x1x8x128xf32, #tpu.memory_space<hbm>>
        %dma_wait3A_158 = tpu.memref_squeeze %dma_wait3A_157 : memref<1x4x1x8x128xf32, #tpu.memory_space<hbm>> -> memref<4x8x128xf32, #tpu.memory_space<hbm>>
        %dma_wait3A_159 = arith.constant 0 : i32
        %dma_wait3A_160 = arith.constant 0 : i32
        %dma_wait3A_161 = arith.constant 0 : i32
        %dma_wait3A_162 = tpu.memref_slice %arg4[%dma_wait3A_147, %dma_wait3A_159, %dma_wait3A_148, %dma_wait3A_160, %dma_wait3A_161] : memref<50x4x32x8x128xf32, #tpu.memory_space<hbm>> -> memref<1x4x1x8x128xf32, #tpu.memory_space<hbm>>
        %dma_wait3A_163 = tpu.memref_squeeze %dma_wait3A_162 : memref<1x4x1x8x128xf32, #tpu.memory_space<hbm>> -> memref<4x8x128xf32, #tpu.memory_space<hbm>>
        %dma_wait3A_164 = arith.constant 0 : i32
        %dma_wait3A_165 = arith.constant 0 : i32
        %dma_wait3A_166 = arith.constant 0 : i32
        %dma_wait3A_167 = tpu.memref_slice %arg8[%dma_wait3A_146, %dma_wait3A_164, %dma_wait3A_165, %dma_wait3A_166] : memref<2x4x8x128xf32, #tpu.memory_space<vmem>> -> memref<1x4x8x128xf32, #tpu.memory_space<vmem>>
        %dma_wait3A_168 = tpu.memref_squeeze %dma_wait3A_167 : memref<1x4x8x128xf32, #tpu.memory_space<vmem>> -> memref<4x8x128xf32, #tpu.memory_space<vmem>>
        tpu.wait_dma2 semaphore(%arg10 : memref<!tpu.dma_semaphore, #tpu.memory_space<semaphore_mem>>) src(%dma_wait3A_168 : memref<4x8x128xf32, #tpu.memory_space<vmem>>) dst(%dma_wait3A_163 : memref<4x8x128xf32, #tpu.memory_space<hbm>>)
      } else {
      }
      %rem3A_116 = arith.constant 2 : i32
      %rem3A_117 = arith.remsi %scan3A_91, %rem3A_116 : i32
      %scan3A_118 = arith.constant 0 : i32
      %scan3A_119 = arith.constant 0 : i32
      %scan3A_120 = arith.constant 32 : i32
      %scan3A_121 = arith.addi %scan3A_119, %scan3A_120 : i32
      %scan3A_122 = arith.constant 1 : i32
      scf.for %scan3A_146 = %scan3A_119 to %scan3A_121 step %scan3A_122  : i32 {
        %mul3A_147 = arith.constant 4 : i32
        %mul3A_148 = arith.muli %scan3A_146, %mul3A_147 : i32
        %add3A_149 = arith.constant 0 : i32
        %add3A_150 = arith.addi %mul3A_148, %add3A_149 : i32
        %broadcast_in_dim3A = vector.broadcast %add3A_150 : i32 to vector<16xi32>
        %get3A = arith.constant 0 : i32
        %get3A_151 = arith.constant 0 : i32
        %get3A_152 = tpu.memref_slice %arg7[%rem3A_93, %get3A, %get3A_151] : memref<3x128x32xf32, #tpu.memory_space<vmem>> -> memref<1x128x32xf32, #tpu.memory_space<vmem>>
        %get3A_153 = tpu.memref_squeeze %get3A_152 : memref<1x128x32xf32, #tpu.memory_space<vmem>> -> memref<128x32xf32, #tpu.memory_space<vmem>>
        %get3A_154 = arith.index_cast %add3A_150 : i32 to index
        %get3A_155 = arith.constant 0 : index
        %get3A_156 = tpu.vector_load %get3A_153[%get3A_154, %get3A_155] {strides = array<i32>} : memref<128x32xf32, #tpu.memory_space<vmem>>, vector<16xf32>,
        %get3A_157 = arith.constant 0 : i32
        %get3A_158 = arith.constant 0 : i32
        %get3A_159 = tpu.memref_slice %arg7[%rem3A_93, %get3A_157, %get3A_158] : memref<3x128x32xf32, #tpu.memory_space<vmem>> -> memref<1x128x32xf32, #tpu.memory_space<vmem>>
        %get3A_160 = tpu.memref_squeeze %get3A_159 : memref<1x128x32xf32, #tpu.memory_space<vmem>> -> memref<128x32xf32, #tpu.memory_space<vmem>>
        %get3A_161 = arith.index_cast %add3A_150 : i32 to index
        %get3A_162 = arith.constant 16 : index
        %get3A_163 = tpu.vector_load %get3A_160[%get3A_161, %get3A_162] {strides = array<i32>} : memref<128x32xf32, #tpu.memory_space<vmem>>, vector<16xf32>,
        %scatter3A = arith.constant 0 : i32
        %scatter3A_164 = arith.constant 0 : i32
        %scatter3A_165 = arith.constant 0 : i32
        %scatter3A_166 = tpu.memref_slice %arg8[%rem3A_117, %scatter3A, %scatter3A_164, %scatter3A_165] : memref<2x4x8x128xf32, #tpu.memory_space<vmem>> -> memref<1x4x8x128xf32, #tpu.memory_space<vmem>>
        %scatter3A_167 = tpu.memref_squeeze %scatter3A_166 : memref<1x4x8x128xf32, #tpu.memory_space<vmem>> -> memref<4x8x128xf32, #tpu.memory_space<vmem>>
        tpu.vector_store_idx %scatter3A_167[%shift_right_logical3A_10, %and3A_12, %broadcast_in_dim3A], %get3A_156 : memref<4x8x128xf32, #tpu.memory_space<vmem>>[vector<16xi32>, vector<16xi32>, vector<16xi32>], vector<16xf32>,
        %add3A_168 = arith.constant 2 : i32
        %add3A_169 = vector.broadcast %add3A_168 : i32 to vector<16xi32>
        %add3A_170 = arith.addi %shift_right_logical3A_10, %add3A_169 : vector<16xi32>
        %scatter3A_171 = arith.constant 0 : i32
        %scatter3A_172 = arith.constant 0 : i32
        %scatter3A_173 = arith.constant 0 : i32
        %scatter3A_174 = tpu.memref_slice %arg8[%rem3A_117, %scatter3A_171, %scatter3A_172, %scatter3A_173] : memref<2x4x8x128xf32, #tpu.memory_space<vmem>> -> memref<1x4x8x128xf32, #tpu.memory_space<vmem>>
        %scatter3A_175 = tpu.memref_squeeze %scatter3A_174 : memref<1x4x8x128xf32, #tpu.memory_space<vmem>> -> memref<4x8x128xf32, #tpu.memory_space<vmem>>
        tpu.vector_store_idx %scatter3A_175[%add3A_170, %and3A_12, %broadcast_in_dim3A], %get3A_163 : memref<4x8x128xf32, #tpu.memory_space<vmem>>[vector<16xi32>, vector<16xi32>, vector<16xi32>], vector<16xf32>,
        %mul3A_176 = arith.constant 4 : i32
        %mul3A_177 = arith.muli %scan3A_146, %mul3A_176 : i32
        %add3A_178 = arith.constant 1 : i32
        %add3A_179 = arith.addi %mul3A_177, %add3A_178 : i32
        %broadcast_in_dim3A_180 = vector.broadcast %add3A_179 : i32 to vector<16xi32>
        %get3A_181 = arith.constant 0 : i32
        %get3A_182 = arith.constant 0 : i32
        %get3A_183 = tpu.memref_slice %arg7[%rem3A_93, %get3A_181, %get3A_182] : memref<3x128x32xf32, #tpu.memory_space<vmem>> -> memref<1x128x32xf32, #tpu.memory_space<vmem>>
        %get3A_184 = tpu.memref_squeeze %get3A_183 : memref<1x128x32xf32, #tpu.memory_space<vmem>> -> memref<128x32xf32, #tpu.memory_space<vmem>>
        %get3A_185 = arith.index_cast %add3A_179 : i32 to index
        %get3A_186 = arith.constant 0 : index
        %get3A_187 = tpu.vector_load %get3A_184[%get3A_185, %get3A_186] {strides = array<i32>} : memref<128x32xf32, #tpu.memory_space<vmem>>, vector<16xf32>,
        %get3A_188 = arith.constant 0 : i32
        %get3A_189 = arith.constant 0 : i32
        %get3A_190 = tpu.memref_slice %arg7[%rem3A_93, %get3A_188, %get3A_189] : memref<3x128x32xf32, #tpu.memory_space<vmem>> -> memref<1x128x32xf32, #tpu.memory_space<vmem>>
        %get3A_191 = tpu.memref_squeeze %get3A_190 : memref<1x128x32xf32, #tpu.memory_space<vmem>> -> memref<128x32xf32, #tpu.memory_space<vmem>>
        %get3A_192 = arith.index_cast %add3A_179 : i32 to index
        %get3A_193 = arith.constant 16 : index
        %get3A_194 = tpu.vector_load %get3A_191[%get3A_192, %get3A_193] {strides = array<i32>} : memref<128x32xf32, #tpu.memory_space<vmem>>, vector<16xf32>,
        %scatter3A_195 = arith.constant 0 : i32
        %scatter3A_196 = arith.constant 0 : i32
        %scatter3A_197 = arith.constant 0 : i32
        %scatter3A_198 = tpu.memref_slice %arg8[%rem3A_117, %scatter3A_195, %scatter3A_196, %scatter3A_197] : memref<2x4x8x128xf32, #tpu.memory_space<vmem>> -> memref<1x4x8x128xf32, #tpu.memory_space<vmem>>
        %scatter3A_199 = tpu.memref_squeeze %scatter3A_198 : memref<1x4x8x128xf32, #tpu.memory_space<vmem>> -> memref<4x8x128xf32, #tpu.memory_space<vmem>>
        tpu.vector_store_idx %scatter3A_199[%shift_right_logical3A_10, %and3A_12, %broadcast_in_dim3A_180], %get3A_187 : memref<4x8x128xf32, #tpu.memory_space<vmem>>[vector<16xi32>, vector<16xi32>, vector<16xi32>], vector<16xf32>,
        %add3A_200 = arith.constant 2 : i32
        %add3A_201 = vector.broadcast %add3A_200 : i32 to vector<16xi32>
        %add3A_202 = arith.addi %shift_right_logical3A_10, %add3A_201 : vector<16xi32>
        %scatter3A_203 = arith.constant 0 : i32
        %scatter3A_204 = arith.constant 0 : i32
        %scatter3A_205 = arith.constant 0 : i32
        %scatter3A_206 = tpu.memref_slice %arg8[%rem3A_117, %scatter3A_203, %scatter3A_204, %scatter3A_205] : memref<2x4x8x128xf32, #tpu.memory_space<vmem>> -> memref<1x4x8x128xf32, #tpu.memory_space<vmem>>
        %scatter3A_207 = tpu.memref_squeeze %scatter3A_206 : memref<1x4x8x128xf32, #tpu.memory_space<vmem>> -> memref<4x8x128xf32, #tpu.memory_space<vmem>>
        tpu.vector_store_idx %scatter3A_207[%add3A_202, %and3A_12, %broadcast_in_dim3A_180], %get3A_194 : memref<4x8x128xf32, #tpu.memory_space<vmem>>[vector<16xi32>, vector<16xi32>, vector<16xi32>], vector<16xf32>,
        %mul3A_208 = arith.constant 4 : i32
        %mul3A_209 = arith.muli %scan3A_146, %mul3A_208 : i32
        %add3A_210 = arith.constant 2 : i32
        %add3A_211 = arith.addi %mul3A_209, %add3A_210 : i32
        %broadcast_in_dim3A_212 = vector.broadcast %add3A_211 : i32 to vector<16xi32>
        %get3A_213 = arith.constant 0 : i32
        %get3A_214 = arith.constant 0 : i32
        %get3A_215 = tpu.memref_slice %arg7[%rem3A_93, %get3A_213, %get3A_214] : memref<3x128x32xf32, #tpu.memory_space<vmem>> -> memref<1x128x32xf32, #tpu.memory_space<vmem>>
        %get3A_216 = tpu.memref_squeeze %get3A_215 : memref<1x128x32xf32, #tpu.memory_space<vmem>> -> memref<128x32xf32, #tpu.memory_space<vmem>>
        %get3A_217 = arith.index_cast %add3A_211 : i32 to index
        %get3A_218 = arith.constant 0 : index
        %get3A_219 = tpu.vector_load %get3A_216[%get3A_217, %get3A_218] {strides = array<i32>} : memref<128x32xf32, #tpu.memory_space<vmem>>, vector<16xf32>,
        %get3A_220 = arith.constant 0 : i32
        %get3A_221 = arith.constant 0 : i32
        %get3A_222 = tpu.memref_slice %arg7[%rem3A_93, %get3A_220, %get3A_221] : memref<3x128x32xf32, #tpu.memory_space<vmem>> -> memref<1x128x32xf32, #tpu.memory_space<vmem>>
        %get3A_223 = tpu.memref_squeeze %get3A_222 : memref<1x128x32xf32, #tpu.memory_space<vmem>> -> memref<128x32xf32, #tpu.memory_space<vmem>>
        %get3A_224 = arith.index_cast %add3A_211 : i32 to index
        %get3A_225 = arith.constant 16 : index
        %get3A_226 = tpu.vector_load %get3A_223[%get3A_224, %get3A_225] {strides = array<i32>} : memref<128x32xf32, #tpu.memory_space<vmem>>, vector<16xf32>,
        %scatter3A_227 = arith.constant 0 : i32
        %scatter3A_228 = arith.constant 0 : i32
        %scatter3A_229 = arith.constant 0 : i32
        %scatter3A_230 = tpu.memref_slice %arg8[%rem3A_117, %scatter3A_227, %scatter3A_228, %scatter3A_229] : memref<2x4x8x128xf32, #tpu.memory_space<vmem>> -> memref<1x4x8x128xf32, #tpu.memory_space<vmem>>
        %scatter3A_231 = tpu.memref_squeeze %scatter3A_230 : memref<1x4x8x128xf32, #tpu.memory_space<vmem>> -> memref<4x8x128xf32, #tpu.memory_space<vmem>>
        tpu.vector_store_idx %scatter3A_231[%shift_right_logical3A_10, %and3A_12, %broadcast_in_dim3A_212], %get3A_219 : memref<4x8x128xf32, #tpu.memory_space<vmem>>[vector<16xi32>, vector<16xi32>, vector<16xi32>], vector<16xf32>,
        %add3A_232 = arith.constant 2 : i32
        %add3A_233 = vector.broadcast %add3A_232 : i32 to vector<16xi32>
        %add3A_234 = arith.addi %shift_right_logical3A_10, %add3A_233 : vector<16xi32>
        %scatter3A_235 = arith.constant 0 : i32
        %scatter3A_236 = arith.constant 0 : i32
        %scatter3A_237 = arith.constant 0 : i32
        %scatter3A_238 = tpu.memref_slice %arg8[%rem3A_117, %scatter3A_235, %scatter3A_236, %scatter3A_237] : memref<2x4x8x128xf32, #tpu.memory_space<vmem>> -> memref<1x4x8x128xf32, #tpu.memory_space<vmem>>
        %scatter3A_239 = tpu.memref_squeeze %scatter3A_238 : memref<1x4x8x128xf32, #tpu.memory_space<vmem>> -> memref<4x8x128xf32, #tpu.memory_space<vmem>>
        tpu.vector_store_idx %scatter3A_239[%add3A_234, %and3A_12, %broadcast_in_dim3A_212], %get3A_226 : memref<4x8x128xf32, #tpu.memory_space<vmem>>[vector<16xi32>, vector<16xi32>, vector<16xi32>], vector<16xf32>,
        %mul3A_240 = arith.constant 4 : i32
        %mul3A_241 = arith.muli %scan3A_146, %mul3A_240 : i32
        %add3A_242 = arith.constant 3 : i32
        %add3A_243 = arith.addi %mul3A_241, %add3A_242 : i32
        %broadcast_in_dim3A_244 = vector.broadcast %add3A_243 : i32 to vector<16xi32>
        %get3A_245 = arith.constant 0 : i32
        %get3A_246 = arith.constant 0 : i32
        %get3A_247 = tpu.memref_slice %arg7[%rem3A_93, %get3A_245, %get3A_246] : memref<3x128x32xf32, #tpu.memory_space<vmem>> -> memref<1x128x32xf32, #tpu.memory_space<vmem>>
        %get3A_248 = tpu.memref_squeeze %get3A_247 : memref<1x128x32xf32, #tpu.memory_space<vmem>> -> memref<128x32xf32, #tpu.memory_space<vmem>>
        %get3A_249 = arith.index_cast %add3A_243 : i32 to index
        %get3A_250 = arith.constant 0 : index
        %get3A_251 = tpu.vector_load %get3A_248[%get3A_249, %get3A_250] {strides = array<i32>} : memref<128x32xf32, #tpu.memory_space<vmem>>, vector<16xf32>,
        %get3A_252 = arith.constant 0 : i32
        %get3A_253 = arith.constant 0 : i32
        %get3A_254 = tpu.memref_slice %arg7[%rem3A_93, %get3A_252, %get3A_253] : memref<3x128x32xf32, #tpu.memory_space<vmem>> -> memref<1x128x32xf32, #tpu.memory_space<vmem>>
        %get3A_255 = tpu.memref_squeeze %get3A_254 : memref<1x128x32xf32, #tpu.memory_space<vmem>> -> memref<128x32xf32, #tpu.memory_space<vmem>>
        %get3A_256 = arith.index_cast %add3A_243 : i32 to index
        %get3A_257 = arith.constant 16 : index
        %get3A_258 = tpu.vector_load %get3A_255[%get3A_256, %get3A_257] {strides = array<i32>} : memref<128x32xf32, #tpu.memory_space<vmem>>, vector<16xf32>,
        %scatter3A_259 = arith.constant 0 : i32
        %scatter3A_260 = arith.constant 0 : i32
        %scatter3A_261 = arith.constant 0 : i32
        %scatter3A_262 = tpu.memref_slice %arg8[%rem3A_117, %scatter3A_259, %scatter3A_260, %scatter3A_261] : memref<2x4x8x128xf32, #tpu.memory_space<vmem>> -> memref<1x4x8x128xf32, #tpu.memory_space<vmem>>
        %scatter3A_263 = tpu.memref_squeeze %scatter3A_262 : memref<1x4x8x128xf32, #tpu.memory_space<vmem>> -> memref<4x8x128xf32, #tpu.memory_space<vmem>>
        tpu.vector_store_idx %scatter3A_263[%shift_right_logical3A_10, %and3A_12, %broadcast_in_dim3A_244], %get3A_251 : memref<4x8x128xf32, #tpu.memory_space<vmem>>[vector<16xi32>, vector<16xi32>, vector<16xi32>], vector<16xf32>,
        %add3A_264 = arith.constant 2 : i32
        %add3A_265 = vector.broadcast %add3A_264 : i32 to vector<16xi32>
        %add3A_266 = arith.addi %shift_right_logical3A_10, %add3A_265 : vector<16xi32>
        %scatter3A_267 = arith.constant 0 : i32
        %scatter3A_268 = arith.constant 0 : i32
        %scatter3A_269 = arith.constant 0 : i32
        %scatter3A_270 = tpu.memref_slice %arg8[%rem3A_117, %scatter3A_267, %scatter3A_268, %scatter3A_269] : memref<2x4x8x128xf32, #tpu.memory_space<vmem>> -> memref<1x4x8x128xf32, #tpu.memory_space<vmem>>
        %scatter3A_271 = tpu.memref_squeeze %scatter3A_270 : memref<1x4x8x128xf32, #tpu.memory_space<vmem>> -> memref<4x8x128xf32, #tpu.memory_space<vmem>>
        tpu.vector_store_idx %scatter3A_271[%add3A_266, %and3A_12, %broadcast_in_dim3A_244], %get3A_258 : memref<4x8x128xf32, #tpu.memory_space<vmem>>[vector<16xi32>, vector<16xi32>, vector<16xi32>], vector<16xf32>,
      }
      %scan3A_123 = arith.constant 32 : i32
      %rem3A_124 = arith.constant 2 : i32
      %rem3A_125 = arith.remsi %scan3A_91, %rem3A_124 : i32
      %dma_start3A_126 = arith.constant 0 : i32
      %dma_start3A_127 = arith.constant 0 : i32
      %dma_start3A_128 = arith.constant 0 : i32
      %dma_start3A_129 = tpu.memref_slice %arg8[%rem3A_125, %dma_start3A_126, %dma_start3A_127, %dma_start3A_128] : memref<2x4x8x128xf32, #tpu.memory_space<vmem>> -> memref<1x4x8x128xf32, #tpu.memory_space<vmem>>
      %dma_start3A_130 = tpu.memref_squeeze %dma_start3A_129 : memref<1x4x8x128xf32, #tpu.memory_space<vmem>> -> memref<4x8x128xf32, #tpu.memory_space<vmem>>
      %dma_start3A_131 = arith.constant 0 : i32
      %dma_start3A_132 = arith.constant 0 : i32
      %dma_start3A_133 = arith.constant 0 : i32
      %dma_start3A_134 = tpu.memref_slice %arg4[%scan3A_91, %dma_start3A_131, %add3A, %dma_start3A_132, %dma_start3A_133] : memref<50x4x32x8x128xf32, #tpu.memory_space<hbm>> -> memref<1x4x1x8x128xf32, #tpu.memory_space<hbm>>
      %dma_start3A_135 = tpu.memref_squeeze %dma_start3A_134 : memref<1x4x1x8x128xf32, #tpu.memory_space<hbm>> -> memref<4x8x128xf32, #tpu.memory_space<hbm>>
      %dma_start3A_136 = arith.constant 0 : i32
      %dma_start3A_137 = arith.constant 0 : i32
      %dma_start3A_138 = arith.constant 0 : i32
      %dma_start3A_139 = tpu.memref_slice %arg4[%scan3A_91, %dma_start3A_136, %add3A, %dma_start3A_137, %dma_start3A_138] : memref<50x4x32x8x128xf32, #tpu.memory_space<hbm>> -> memref<1x4x1x8x128xf32, #tpu.memory_space<hbm>>
      %dma_start3A_140 = tpu.memref_squeeze %dma_start3A_139 : memref<1x4x1x8x128xf32, #tpu.memory_space<hbm>> -> memref<4x8x128xf32, #tpu.memory_space<hbm>>
      %dma_start3A_141 = arith.constant 0 : i32
      %dma_start3A_142 = arith.constant 0 : i32
      %dma_start3A_143 = arith.constant 0 : i32
      %dma_start3A_144 = tpu.memref_slice %arg8[%rem3A_125, %dma_start3A_141, %dma_start3A_142, %dma_start3A_143] : memref<2x4x8x128xf32, #tpu.memory_space<vmem>> -> memref<1x4x8x128xf32, #tpu.memory_space<vmem>>
      %dma_start3A_145 = tpu.memref_squeeze %dma_start3A_144 : memref<1x4x8x128xf32, #tpu.memory_space<vmem>> -> memref<4x8x128xf32, #tpu.memory_space<vmem>>
      tpu.enqueue_dma source(%dma_start3A_145 : memref<4x8x128xf32, #tpu.memory_space<vmem>>) target(%dma_start3A_140 : memref<4x8x128xf32, #tpu.memory_space<hbm>>) target_semaphore(%arg10 : memref<!tpu.dma_semaphore, #tpu.memory_space<semaphore_mem>>)
    }
    %scan3A_45 = arith.constant 50 : i32
    %dma_wait3A = arith.constant 0 : i32
    %dma_wait3A_46 = arith.constant 0 : i32
    %dma_wait3A_47 = arith.constant 0 : i32
    %dma_wait3A_48 = arith.constant 0 : i32
    %dma_wait3A_49 = arith.constant 0 : i32
    %dma_wait3A_50 = arith.constant 0 : i32
    %dma_wait3A_51 = tpu.memref_slice %arg8[%dma_wait3A, %dma_wait3A_48, %dma_wait3A_49, %dma_wait3A_50] : memref<2x4x8x128xf32, #tpu.memory_space<vmem>> -> memref<1x4x8x128xf32, #tpu.memory_space<vmem>>
    %dma_wait3A_52 = tpu.memref_squeeze %dma_wait3A_51 : memref<1x4x8x128xf32, #tpu.memory_space<vmem>> -> memref<4x8x128xf32, #tpu.memory_space<vmem>>
    %dma_wait3A_53 = arith.constant 0 : i32
    %dma_wait3A_54 = arith.constant 0 : i32
    %dma_wait3A_55 = arith.constant 0 : i32
    %dma_wait3A_56 = tpu.memref_slice %arg4[%dma_wait3A_46, %dma_wait3A_53, %dma_wait3A_47, %dma_wait3A_54, %dma_wait3A_55] : memref<50x4x32x8x128xf32, #tpu.memory_space<hbm>> -> memref<1x4x1x8x128xf32, #tpu.memory_space<hbm>>
    %dma_wait3A_57 = tpu.memref_squeeze %dma_wait3A_56 : memref<1x4x1x8x128xf32, #tpu.memory_space<hbm>> -> memref<4x8x128xf32, #tpu.memory_space<hbm>>
    %dma_wait3A_58 = arith.constant 0 : i32
    %dma_wait3A_59 = arith.constant 0 : i32
    %dma_wait3A_60 = arith.constant 0 : i32
    %dma_wait3A_61 = tpu.memref_slice %arg4[%dma_wait3A_46, %dma_wait3A_58, %dma_wait3A_47, %dma_wait3A_59, %dma_wait3A_60] : memref<50x4x32x8x128xf32, #tpu.memory_space<hbm>> -> memref<1x4x1x8x128xf32, #tpu.memory_space<hbm>>
    %dma_wait3A_62 = tpu.memref_squeeze %dma_wait3A_61 : memref<1x4x1x8x128xf32, #tpu.memory_space<hbm>> -> memref<4x8x128xf32, #tpu.memory_space<hbm>>
    %dma_wait3A_63 = arith.constant 0 : i32
    %dma_wait3A_64 = arith.constant 0 : i32
    %dma_wait3A_65 = arith.constant 0 : i32
    %dma_wait3A_66 = tpu.memref_slice %arg8[%dma_wait3A, %dma_wait3A_63, %dma_wait3A_64, %dma_wait3A_65] : memref<2x4x8x128xf32, #tpu.memory_space<vmem>> -> memref<1x4x8x128xf32, #tpu.memory_space<vmem>>
    %dma_wait3A_67 = tpu.memref_squeeze %dma_wait3A_66 : memref<1x4x8x128xf32, #tpu.memory_space<vmem>> -> memref<4x8x128xf32, #tpu.memory_space<vmem>>
    tpu.wait_dma2 semaphore(%arg10 : memref<!tpu.dma_semaphore, #tpu.memory_space<semaphore_mem>>) src(%dma_wait3A_67 : memref<4x8x128xf32, #tpu.memory_space<vmem>>) dst(%dma_wait3A_62 : memref<4x8x128xf32, #tpu.memory_space<hbm>>)
    %dma_wait3A_68 = arith.constant 0 : i32
    %dma_wait3A_69 = arith.constant 0 : i32
    %dma_wait3A_70 = arith.constant 0 : i32
    %dma_wait3A_71 = arith.constant 0 : i32
    %dma_wait3A_72 = arith.constant 0 : i32
    %dma_wait3A_73 = arith.constant 0 : i32
    %dma_wait3A_74 = tpu.memref_slice %arg8[%dma_wait3A_68, %dma_wait3A_71, %dma_wait3A_72, %dma_wait3A_73] : memref<2x4x8x128xf32, #tpu.memory_space<vmem>> -> memref<1x4x8x128xf32, #tpu.memory_space<vmem>>
    %dma_wait3A_75 = tpu.memref_squeeze %dma_wait3A_74 : memref<1x4x8x128xf32, #tpu.memory_space<vmem>> -> memref<4x8x128xf32, #tpu.memory_space<vmem>>
    %dma_wait3A_76 = arith.constant 0 : i32
    %dma_wait3A_77 = arith.constant 0 : i32
    %dma_wait3A_78 = arith.constant 0 : i32
    %dma_wait3A_79 = tpu.memref_slice %arg4[%dma_wait3A_69, %dma_wait3A_76, %dma_wait3A_70, %dma_wait3A_77, %dma_wait3A_78] : memref<50x4x32x8x128xf32, #tpu.memory_space<hbm>> -> memref<1x4x1x8x128xf32, #tpu.memory_space<hbm>>
    %dma_wait3A_80 = tpu.memref_squeeze %dma_wait3A_79 : memref<1x4x1x8x128xf32, #tpu.memory_space<hbm>> -> memref<4x8x128xf32, #tpu.memory_space<hbm>>
    %dma_wait3A_81 = arith.constant 0 : i32
    %dma_wait3A_82 = arith.constant 0 : i32
    %dma_wait3A_83 = arith.constant 0 : i32
    %dma_wait3A_84 = tpu.memref_slice %arg4[%dma_wait3A_69, %dma_wait3A_81, %dma_wait3A_70, %dma_wait3A_82, %dma_wait3A_83] : memref<50x4x32x8x128xf32, #tpu.memory_space<hbm>> -> memref<1x4x1x8x128xf32, #tpu.memory_space<hbm>>
    %dma_wait3A_85 = tpu.memref_squeeze %dma_wait3A_84 : memref<1x4x1x8x128xf32, #tpu.memory_space<hbm>> -> memref<4x8x128xf32, #tpu.memory_space<hbm>>
    %dma_wait3A_86 = arith.constant 0 : i32
    %dma_wait3A_87 = arith.constant 0 : i32
    %dma_wait3A_88 = arith.constant 0 : i32
    %dma_wait3A_89 = tpu.memref_slice %arg8[%dma_wait3A_68, %dma_wait3A_86, %dma_wait3A_87, %dma_wait3A_88] : memref<2x4x8x128xf32, #tpu.memory_space<vmem>> -> memref<1x4x8x128xf32, #tpu.memory_space<vmem>>
    %dma_wait3A_90 = tpu.memref_squeeze %dma_wait3A_89 : memref<1x4x8x128xf32, #tpu.memory_space<vmem>> -> memref<4x8x128xf32, #tpu.memory_space<vmem>>
    tpu.wait_dma2 semaphore(%arg10 : memref<!tpu.dma_semaphore, #tpu.memory_space<semaphore_mem>>) src(%dma_wait3A_90 : memref<4x8x128xf32, #tpu.memory_space<vmem>>) dst(%dma_wait3A_85 : memref<4x8x128xf32, #tpu.memory_space<hbm>>)
    return
  }
}

</mosaic_0001>

<sc_bundles>
// kernel: kernel.3.cloned.1.call-start
scs
__scs_entry_jumppad:
0x0: {  	(pc) =	sbr.rel $0x88, $3  }
0x1: {  	(tag) =	ssettag $0x0;
	lr =	simm.s32 $0x1  }
0x2: {  	[smem:$0x3F9F] =	sst lr;
	_ =	strace $0xD0000000  }
0x3: {  	_ = 	snop  }
0x4: {  	_ = 	snop  }
0x5: {  	_ = 	snop  }
0x6: {  	_ = 	snop  }
0x7: {  	_ = 	snop  }
__scs_overlays_trampoline_lowered:
0x8: {  	[smem:$0x3FAE] =	sst s0  }
0x9: {  	[smem:$0x3FAF] =	sst s1  }
0xa: {  	[smem:$0x3FB0] =	sst s2  }
0xb: {  	[smem:$0x3FB1] =	sst s3  }
0xc: {  	[smem:$0x3FB2] =	sst s4  }
0xd: {  	[smem:$0x3FB3] =	sst s5  }
0xe: {  	[smem:$0x3FB4] =	sst s6  }
0xf: {  	[smem:$0x3FB5] =	sst s7  }
0x10: {  	[smem:$0x3FB6] =	sst s8  }
0x11: {  	[smem:$0x3FB7] =	sst s9;
	s0 =	simm.s32 @!p0 $0x0  }
0x12: {  	s1 =	sld [smem:$0x3F9D];
	s0 =	simm.s32 @p0 $0x1  }
0x13: {  	[smem:$0x3FB8] =	sst s0;
	s0 =	simm.s32 @!p1 $0x0  }
0x14: {  	s2 =	sld [smem:$0x3F9C];
	s0 =	simm.s32 @p1 $0x1  }
0x15: {  	[smem:$0x3FB9] =	sst s0;
	s0 =	simm.s32 @!p2 $0x0  }
0x16: {  	s3 =	sld [smem:$0x3FDB];
	s0 =	simm.s32 @p2 $0x1  }
0x17: {  	s4 =	simm.s32 $0x1BF5;
	[smem:$0x3FBB] =	sst s0  }
0x18: {  	s0 =	sld [smem:$0x3F9E];
	_ =	swait.ge [sflag:s4], $0x0  }
0x19: {  	s7 =	sld [smem:$0x3F9F]  }
0x1a: {  	s8 =	sadd.s32 $0xFFFFE003, lr  }
0x1b: {  	s9 =	sadd.s32 $0xFFFFFEF7, lr;
	s5 =	simm.s32 $0xFFFFFFFF;
	p2 =	slt.u32 s8, $0xFFFFF086  }
0x1c: {  	p1 =	slt.u32 s9, $0xF7A;
	s5 =	simm.s32 @!p2 $0x0  }
0x1d: {  	s5 =	simm.s32 @p1 $0x1;
	p0 =	seq.s32 s7, s2  }
0x1e: {  	s7 =	smul.u32 @!p0 $0xF7A, s2;
	p2 =	seq.s32 @!p0 s5, $0x0  }
0x1f: {  	s9 =	smul.u32 $0xF7A, s1;
	s8 =	simm.s32 @!p0 $0x1BF5;
	p2 =	por !p2, p0  }
0x20: {  	[sflag:s8] =	ssyncset.s32 @!p0 $0xFFFFF086;
	s6 =	sadd.s32 @!p0 s3, s7;
	s7 =	simm.s32 @!p0 $0x108  }
0x21: {  	s3 =	sadd.s32 s3, s9;
	s6 =	sadd.s32 @!p0 $0x88, s6;
	s7 =	simm.s32 @p2 $0x1082  }
0x22: {  	[simem:s7], [sflag:s8] =	dma.local @!p0 [hbm:s6], $0xF7A  }
0x23: {  	s9 =	sor.u32 $0xD0000000, s2;
	s6 =	simm.s32 $0x108;
	_ =	swait.ge @!p0 [sflag:s8], $0x0  }
0x24: {  	s3 =	sadd.s32 $0x88, s3;
	s6 =	simm.s32 @!p1 $0x1082;
	[sflag:s4] =	ssyncset.s32 $0xFFFFF086  }
0x25: {  	[simem:s6], [sflag:s4] =	dma.local [hbm:s3], $0xF7A  }
0x26: {  	[smem:$0x3F9F] =	sst s1;
	(tag) =	ssettag s2;
	_ =	strace s9  }
0x27: {  	s1 =	sld [smem:$0x3FAF]  }
0x28: {  	s2 =	sld [smem:$0x3FB0]  }
0x29: {  	s4 =	sld [smem:$0x3FB2]  }
0x2a: {  	p0 =	seq.s32 s5, $0x0;
	s5 =	sld [smem:$0x3FB3]  }
0x2b: {  	s6 =	sld [smem:$0x3FB4]  }
0x2c: {  	s7 =	sld [smem:$0x3FB5]  }
0x2d: {  	s3 =	simm.s32 $0x108;
	s8 =	sld [smem:$0x3FB6]  }
0x2e: {  	s3 =	simm.s32 @!p0 $0x1082;
	s9 =	sld [smem:$0x3FB7]  }
0x2f: {  	lr =	sadd.s32 s0, s3;
	s0 =	sld [smem:$0x3FAE]  }
0x30: {  	s3 =	sld [smem:$0x3FB1]  }
0x31: {  	[smem:$0x3FBA] =	sst s10  }
0x32: {  	s10 =	sld [smem:$0x3FB8];
	_ =	sdelay $0x3  }
0x33: {  	p0 =	seq.s32 s10, $0x1;
	s10 =	sld [smem:$0x3FBA];
	_ =	sdelay $0x3  }
0x34: {  	[smem:$0x3FBA] =	sst s10  }
0x35: {  	s10 =	sld [smem:$0x3FB9];
	_ =	sdelay $0x3  }
0x36: {  	p1 =	seq.s32 s10, $0x1;
	s10 =	sld [smem:$0x3FBA];
	_ =	sdelay $0x3  }
0x37: {  	[smem:$0x3FBA] =	sst s10  }
0x38: {  	s10 =	sld [smem:$0x3FBB]  }
0x39: {  	_ = 	snop;
	(pc) =	sbr.ind lr, $3  }
0x3a: {  	_ = 	snop  }
0x3b: {  	_ = 	snop  }
0x3c: {  	p2 =	seq.s32 s10, $0x1;
	s10 =	sld [smem:$0x3FBA]  }
0x3d: {  	_ =	shalt  }
0x3e: {  	_ =	shalt  }
0x3f: {  	_ =	shalt  }
0x40: {  	_ =	shalt  }
0x41: {  	_ =	shalt  }
0x42: {  	_ =	shalt  }
0x43: {  	_ =	shalt  }
0x44: {  	_ =	shalt  }
0x45: {  	_ =	shalt  }
0x46: {  	_ =	shalt  }
0x47: {  	_ =	shalt  }
0x48: {  	_ =	shalt  }
0x49: {  	_ =	shalt  }
0x4a: {  	_ =	shalt  }
0x4b: {  	_ =	shalt  }
0x4c: {  	_ =	shalt  }
0x4d: {  	_ =	shalt  }
0x4e: {  	_ =	shalt  }
0x4f: {  	_ =	shalt  }
0x50: {  	_ =	shalt  }
0x51: {  	_ =	shalt  }
0x52: {  	_ =	shalt  }
0x53: {  	_ =	shalt  }
0x54: {  	_ =	shalt  }
0x55: {  	_ =	shalt  }
0x56: {  	_ =	shalt  }
0x57: {  	_ =	shalt  }
0x58: {  	_ =	shalt  }
0x59: {  	_ =	shalt  }
0x5a: {  	_ =	shalt  }
0x5b: {  	_ =	shalt  }
0x5c: {  	_ =	shalt  }
0x5d: {  	_ =	shalt  }
0x5e: {  	_ =	shalt  }
0x5f: {  	_ =	shalt  }
0x60: {  	_ =	shalt  }
0x61: {  	_ =	shalt  }
0x62: {  	_ =	shalt  }
0x63: {  	_ =	shalt  }
0x64: {  	_ =	shalt  }
0x65: {  	_ =	shalt  }
0x66: {  	_ =	shalt  }
0x67: {  	_ =	shalt  }
0x68: {  	_ =	shalt  }
0x69: {  	_ =	shalt  }
0x6a: {  	_ =	shalt  }
0x6b: {  	_ =	shalt  }
0x6c: {  	_ =	shalt  }
0x6d: {  	_ =	shalt  }
0x6e: {  	_ =	shalt  }
0x6f: {  	_ =	shalt  }
0x70: {  	_ =	shalt  }
0x71: {  	_ =	shalt  }
0x72: {  	_ =	shalt  }
0x73: {  	_ =	shalt  }
0x74: {  	_ =	shalt  }
0x75: {  	_ =	shalt  }
0x76: {  	_ =	shalt  }
0x77: {  	_ =	shalt  }
0x78: {  	_ =	shalt  }
0x79: {  	_ =	shalt  }
0x7a: {  	_ =	shalt  }
0x7b: {  	_ =	shalt  }
0x7c: {  	_ =	shalt  }
0x7d: {  	_ =	shalt  }
0x7e: {  	_ =	shalt  }
0x7f: {  	_ =	shalt  }
0x80: {  	_ =	shalt  }
0x81: {  	_ =	shalt  }
0x82: {  	_ =	shalt  }
0x83: {  	_ =	shalt  }
0x84: {  	_ =	shalt  }
0x85: {  	_ =	shalt  }
0x86: {  	_ =	shalt  }
0x87: {  	_ =	shalt  }
.Lfunc_end0:
.L_simem_size_0:
called_computation_lowered:
.L_overlay_start_0:
0x88: {  	s2 =	sld [smem:$0x3FD9]  }
0x89: {  	s3 =	sld [smem:$0x3FFE];
	_ =	sdelay $0x1  }
0x8a: {  	s1 =	srdreg.scid  }
0x8b: {  	s0 =	sand.u32 $0x1, s1  }
0x8c: {  	s17 =	sshll.u32 s0, $0xA;
	s2 =	sadd.s32 s3, s2  }
0x8d: {  	s2 =	sadd.s32 s2, s17  }
0x8e: {  	[smem:$0x3FC6] =	sst s2  }
0x8f: {  	_ = 	snop  }
0x90: {  	s2 =	sld [smem:$0x3FD0];
	(tm) =	ssettm $0x1  }
0x91: {  	s18 =	sld [smem:$0x3FFB];
	_ =	sdelay $0x3  }
0x92: {  	_ =	strace s18  }
0x93: {  	s3 =	sld [smem:$0x3FFC];
	_ =	sdelay $0x3  }
0x94: {  	_ =	strace s3  }
0x95: {  	s3 =	sld [smem:$0x3FFD];
	_ =	sdelay $0x3  }
0x96: {  	_ =	strace s3  }
0x97: {  	_ =	strace $0x8FFFFFFF  }
0x98: {  	s19 =	sld [smem:$0x3FDB];
	_ =	sdelay $0x1  }
0x99: {  	s4 =	simm.s32 $_scs_section_size  }
0x9a: {  	s5 =	simm.s32 $_size__tile_overlayer_lowered;
	s6 =	simm.s32 $_tile_overlayer_lowered  }
0x9b: {  	s22 =	simm.s32 $0x1BFF;
	s21 =	sshll.u32 s6, $0x1;
	s3 =	sadd.s32 s4, s19  }
0x9c: {  	s7 =	simm.s32 $0x0;
	s20 =	sshll.u32 s5, $0x1;
	s5 =	sadd.s32 s21, s3  }
0x9d: {  	[timem:s7], [sflag:s22] =	dma.local [hbm:s5], s20  }
0x9e: {  	_ =	swait.ge [sflag:s22], s20  }
0x9f: {  	s4 =	ssub.s32 $0x0, s20;
	[sflag:s22] =	ssyncset.done $0x0  }
0xa0: {  	[sflag:s22] =	ssyncadd.s32 s4;
	_ =	sdelay $0x1  }
0xa1: {  	s23 =	simm.s32 $0x1B8B  }
0xa2: {  	_ =	swait.ge [sflag:s23], $0x1  }
0xa3: {  	[sflag:s23] =	ssyncset.done $0x0  }
0xa4: {  	s25 =	simm.s32 $0x1B8E;
	s24 =	sld [smem:$0x3FFE];
	[sflag:s23] =	ssyncadd.s32 $0xFFFFFFFF  }
0xa5: {  	s26 =	simm.s32 $execute0_lowered;
	[smem:$0x3FD2] =	sst s25  }
0xa6: {  	s5 =	sshll.u32 s26, $0x1;
	_ =	strace $0x80000046;
	[dreg:$0x1] =	wrdreg $0xFFFFFFFF  }
0xa7: {  	s28 =	simm.s32 $_size_execute0_lowered;
	s3 =	sadd.s32 s3, s5;
	[dreg:$0x0] =	wrdreg $0x0  }
0xa8: {  	s5 =	sshll.u32 s28, $0x1;
	[dreg:$0x2] =	wrdreg s3  }
0xa9: {  	[dreg:$0x3] =	wrdreg s5  }
0xaa: {  	[dreg:$0x4] =	wrdreg $0xC0  }
0xab: {  	_ =	task [dreg:s7], $0x5FFFF  }
0xac: {  	[dreg:$0x1] =	wrdreg $0xFFFFFFFF  }
0xad: {  	[dreg:$0x0] =	wrdreg $0x60  }
0xae: {  	[dreg:$0x2] =	wrdreg s24  }
0xaf: {  	[dreg:$0x3] =	wrdreg s2  }
0xb0: {  	[dreg:$0x4] =	wrdreg $0x9  }
0xb1: {  	_ =	task.clear_ibuf [dreg:s7], $0x5FFFF;
	_ =	strace $0x90000046  }
0xb2: {  	s29 =	simm.s32 $0x9;
	_ =	strace $0x80000048  }
0xb3: {  	_ =	swait.ge [sflag:s29], $0x1  }
0xb4: {  	[sflag:s29] =	ssyncadd.s32 $0xFFFFFFFF  }
0xb5: {  	_ =	strace $0x90000048  }
0xb6: {  	_ =	sfence  }
0xb7: {  	s30 =	sld [smem:$0x0];
	_ =	sdelay $0x2  }
0xb8: {  	s31 =	sshll.u32 s1, $0xD;
	s1 =	sshrl.u32 s1, $0x2  }
0xb9: {  	s3 =	sand.u32 $0x4000, s31;
	s1 =	sadd.s32 s1, s30  }
0xba: {  	s0 =	sor.u32 s3, s0;
	s1 =	sshll.u32 s1, $0x11  }
0xbb: {  	s0 =	sor.u32 s1, s0  }
0xbc: {  	s0 =	sadd.s32 $0x8F2B, s0  }
0xbd: {  	[sflag:s0] =	ssyncadd.remote.s32 $0x1  }
0xbe: {  	_ =	sfence.sel $0xFFFF  }
0xbf: {  	[dreg:$0x0] =	wrdreg $0xFFFFFFFF;
	(pc) =	sbr.abs _section_cstart, $3  }
0xc0: {  	[dreg:$0x1] =	wrdreg $0xFFFFFFFF  }
0xc1: {  	_ =	task.clear_ibuf [dreg:s7], $0x2FFFF;
	_ =	strace $0x9FFFFFFF  }
0xc2: {  	(tm) =	ssettm $0x7FFFFFFF  }
0xc3: {  	_ =	shalt  }
tec
execute0_lowered:
.L_overlay_start_1:
0x0: {  	(tag) =	ssettag $0x1  }
0x1: {  	s4 =	rddreg [dreg:$0x0];
	s1 =	srdreg.scid  }
0x2: {  	s0 =	stileid.u32;
	s5 =	rddreg [dreg:$0x1]  }
0x3: {  	s2 =	simm.s32 $0x0;
	s9 =	simm.s32 $0x1900;
	s10 =	simm.s32 $0x1980  }
0x4: {  	s11 =	simm.s32 $0x4200;
	s12 =	simm.s32 $0x1;
	s13 =	simm.s32 $0x2  }
0x5: {  	s14 =	simm.s32 $0x400;
	s15 =	simm.s32 $0x8000;
	s16 =	simm.s32 $0x0  }
0x6: {  	s3 =	sand.u32 $0x1, s1;
	s6 =	sshll.u32 s0, $0x1;
	[smem:$0x7FF] =	sst s2  }
0x7: {  	s1 =	rddreg [dreg:$0x2];
	s6 =	sor.u32 s3, s6;
	_ =	strace $0x80000047  }
0x8: {  	v1 =	vlaneseq.u32;
	s8 =	ssub.s32 $0x2, s3;
	s7 =	smul.u32 $0x320, s6;
	s6 =	sshll.u32 s6, $0x7  }
0x9: {  	v0 =	vmul.u32 $0x80, v1;
	s3 =	sadd.s32 $0xF42A00, s4;
	s31 =	sshrl.u32 s8, $0x1;
	s5 =	sadd.s32 s5, s6  }
0xa: {  	s4 =	sadd.s32 s7, s4;
	s7 =	ssub.s32 s8, s31;
	s8 =	simm.s32 $0x80  }
0xb: {  	v1 =	vmul.u32 $0x32, v1;
	v2 =	vor.u32 $0x800, v0;
	s4 =	sadd.s32 $0x600, s4;
	s6 =	smax.u32 s7, $0x1;
	s7 =	simm.s32 $0x3  }
.LBB2_1:
0xc: {  	_ = 	snop  }
0xd: {  	v3 =	vadd.s32 s2, v1  }
0xe: {  	[tilespmem:s2], [sflag:$0x3] =	stream.linear.gather [hbm4b:s4+s2], $0x1900, $0x38;
	[tilespmem:$0x8200] =	vst v63  }
0xf: {  	_ =	swait.ge [sflag:s7], $0x1900  }
0x10: {  	[sflag:s7] =	ssyncset.done $0x0  }
0x11: {  	[sflag:s7] =	ssyncadd.s32 $0xFFFFE700  }
0x12: {  	s17 =	simm.s32 $0x320;
	v3 =	vld.idx.msk [tilespmem:v3+s2+$0x0], $0xffff  }
0x13: {  	v4 =	vadd.s32 s17, v1;
	_ =	sdelay $0x2  }
0x14: {  	s17 =	simm.s32 $0x1940  }
0x15: {  	[tilespmem:s17+$0xFFFFFFC0] =	vst v3  }
0x16: {  	s18 =	simm.s32 $0x640;
	v3 =	vld.idx.msk [tilespmem:v4+s2+$0x0], $0xffff  }
0x17: {  	v4 =	vadd.s32 s18, v1;
	_ =	sdelay $0x3  }
0x18: {  	[tilespmem:s17+$0xFFFFFFD0] =	vst v3  }
0x19: {  	s26 =	simm.s32 $0x960;
	v3 =	vld.idx.msk [tilespmem:v4+s2+$0x0], $0xffff  }
0x1a: {  	v4 =	vadd.s32 s26, v1;
	_ =	sdelay $0x3  }
0x1b: {  	[tilespmem:s17+$0xFFFFFFE0] =	vst v3  }
0x1c: {  	s28 =	simm.s32 $0xC80;
	v3 =	vld.idx.msk [tilespmem:v4+s2+$0x0], $0xffff  }
0x1d: {  	v4 =	vadd.s32 s28, v1;
	_ =	sdelay $0x3  }
0x1e: {  	[tilespmem:s17+$0xFFFFFFF0] =	vst v3  }
0x1f: {  	s29 =	simm.s32 $0xFA0;
	v3 =	vld.idx.msk [tilespmem:v4+s2+$0x0], $0xffff  }
0x20: {  	v4 =	vadd.s32 s29, v1;
	_ =	sdelay $0x3  }
0x21: {  	[tilespmem:s17+$0x0] =	vst v3  }
0x22: {  	s30 =	simm.s32 $0x12C0;
	v3 =	vld.idx.msk [tilespmem:v4+s2+$0x0], $0xffff  }
0x23: {  	v4 =	vadd.s32 s30, v1;
	_ =	sdelay $0x3  }
0x24: {  	[tilespmem:s17+$0x10] =	vst v3  }
0x25: {  	s31 =	simm.s32 $0x15E0;
	v3 =	vld.idx.msk [tilespmem:v4+s2+$0x0], $0xffff  }
0x26: {  	v4 =	vadd.s32 s31, v1;
	_ =	sdelay $0x3  }
0x27: {  	[tilespmem:s17+$0x20] =	vst v3  }
0x28: {  	s18 =	simm.s32 $0x1;
	v3 =	vld.idx.msk [tilespmem:v4+s2+$0x0], $0xffff  }
0x29: {  	s19 =	simm.s32 $0x2;
	v4 =	vadd.s32 s18, v1  }
.LBB2_2:
0x2a: {  	p0 =	sne.s32 s19, $0x31;
	_ =	sdelay $0x2  }
0x2b: {  	[tilespmem:s17+$0x30] =	vst v3  }
0x2c: {  	v3 =	vld.idx.msk [tilespmem:v4+s2+$0x0], $0xffff  }
0x2d: {  	s20 =	sadd.s32 $0x320, s18  }
0x2e: {  	v4 =	vadd.s32 s20, v1;
	_ =	sdelay $0x2  }
0x2f: {  	s17 =	sadd.s32 $0x80, s17  }
0x30: {  	[tilespmem:s17+$0xFFFFFFC0] =	vst v3  }
0x31: {  	v3 =	vld.idx.msk [tilespmem:v4+s2+$0x0], $0xffff  }
0x32: {  	s20 =	sadd.s32 $0x640, s18  }
0x33: {  	v4 =	vadd.s32 s20, v1;
	_ =	sdelay $0x3  }
0x34: {  	[tilespmem:s17+$0xFFFFFFD0] =	vst v3  }
0x35: {  	v3 =	vld.idx.msk [tilespmem:v4+s2+$0x0], $0xffff  }
0x36: {  	s20 =	sadd.s32 $0x960, s18  }
0x37: {  	v4 =	vadd.s32 s20, v1;
	_ =	sdelay $0x3  }
0x38: {  	[tilespmem:s17+$0xFFFFFFE0] =	vst v3  }
0x39: {  	v3 =	vld.idx.msk [tilespmem:v4+s2+$0x0], $0xffff  }
0x3a: {  	s20 =	sadd.s32 $0xC80, s18  }
0x3b: {  	v4 =	vadd.s32 s20, v1;
	_ =	sdelay $0x3  }
0x3c: {  	[tilespmem:s17+$0xFFFFFFF0] =	vst v3  }
0x3d: {  	v3 =	vld.idx.msk [tilespmem:v4+s2+$0x0], $0xffff  }
0x3e: {  	s20 =	sadd.s32 $0xFA0, s18  }
0x3f: {  	v4 =	vadd.s32 s20, v1;
	_ =	sdelay $0x3  }
0x40: {  	[tilespmem:s17+$0x0] =	vst v3  }
0x41: {  	v3 =	vld.idx.msk [tilespmem:v4+s2+$0x0], $0xffff  }
0x42: {  	s20 =	sadd.s32 $0x12C0, s18  }
0x43: {  	v4 =	vadd.s32 s20, v1;
	_ =	sdelay $0x3  }
0x44: {  	[tilespmem:s17+$0x10] =	vst v3  }
0x45: {  	v3 =	vld.idx.msk [tilespmem:v4+s2+$0x0], $0xffff  }
0x46: {  	s20 =	sadd.s32 $0x15E0, s18;
	s18 =	smov.u32 s19  }
0x47: {  	v4 =	vadd.s32 s20, v1;
	_ =	sdelay $0x2  }
.Ltmp0:
0x48: {  	(pc) =	sbr.rel @p0 .LBB2_2-.Ltmp0, $3  }
0x49: {  	[tilespmem:s17+$0x20] =	vst v3  }
0x4a: {  	v3 =	vld.idx.msk [tilespmem:v4+s2+$0x0], $0xffff;
	_ =	sdelay $0x1  }
0x4b: {  	s19 =	sadd.s32 $0x1, s19;
	v4 =	vadd.s32 s18, v1  }
0x4c: {  	_ =	sdelay $0x2  }
0x4d: {  	[tilespmem:s17+$0x30] =	vst v3  }
0x4e: {  	s19 =	sadd.s32 $0x320, s18;
	v3 =	vld.idx.msk [tilespmem:v4+s2+$0x0], $0xffff  }
0x4f: {  	v57 =	vadd.s32 s19, v1;
	_ =	sdelay $0x2  }
0x50: {  	s24 =	sadd.s32 $0x80, s17  }
0x51: {  	[tilespmem:s24+$0xFFFFFFC0] =	vst v3  }
0x52: {  	s25 =	sadd.s32 $0x640, s18;
	v3 =	vld.idx.msk [tilespmem:v57+s2+$0x0], $0xffff  }
0x53: {  	v58 =	vadd.s32 s25, v1;
	_ =	sdelay $0x3  }
0x54: {  	[tilespmem:s24+$0xFFFFFFD0] =	vst v3  }
0x55: {  	s26 =	sadd.s32 $0x960, s18;
	v3 =	vld.idx.msk [tilespmem:v58+s2+$0x0], $0xffff  }
0x56: {  	v59 =	vadd.s32 s26, v1;
	_ =	sdelay $0x3  }
0x57: {  	[tilespmem:s24+$0xFFFFFFE0] =	vst v3  }
0x58: {  	s28 =	sadd.s32 $0xC80, s18;
	v3 =	vld.idx.msk [tilespmem:v59+s2+$0x0], $0xffff  }
0x59: {  	v60 =	vadd.s32 s28, v1;
	_ =	sdelay $0x3  }
0x5a: {  	[tilespmem:s24+$0xFFFFFFF0] =	vst v3  }
0x5b: {  	s29 =	sadd.s32 $0xFA0, s18;
	v3 =	vld.idx.msk [tilespmem:v60+s2+$0x0], $0xffff  }
0x5c: {  	v61 =	vadd.s32 s29, v1;
	_ =	sdelay $0x3  }
0x5d: {  	[tilespmem:s24+$0x0] =	vst v3  }
0x5e: {  	s30 =	sadd.s32 $0x12C0, s18;
	v3 =	vld.idx.msk [tilespmem:v61+s2+$0x0], $0xffff  }
0x5f: {  	v62 =	vadd.s32 s30, v1;
	_ =	sdelay $0x3  }
0x60: {  	[tilespmem:s24+$0x10] =	vst v3  }
0x61: {  	s31 =	sadd.s32 $0x15E0, s18;
	v3 =	vld.idx.msk [tilespmem:v62+s2+$0x0], $0xffff  }
0x62: {  	v63 =	vadd.s32 s31, v1;
	_ =	sdelay $0x3  }
0x63: {  	[tilespmem:s24+$0x20] =	vst v3  }
0x64: {  	v3 =	vld.idx.msk [tilespmem:v63+s2+$0x0], $0xffff;
	_ =	sdelay $0x4  }
0x65: {  	s17 =	simm.s32 $0x3200;
	[tilespmem:s24+$0x30] =	vst v3  }
0x66: {  	[tilespmem:s17], [sflag:$0x1] =	stream.indirect.gather [hbm4b:s3+s8], $0x20, s9, s8, $0xb8;
	[tilespmem:$0x8200] =	vst v63  }
0x67: {  	s18 =	simm.s32 $0x0  }
0x68: {  	[tilespmem:s11], [sflag:$0x1] =	stream.indirect.gather [hbm4b:s3+s8], $0x20, s10, s8, $0xb8;
	[tilespmem:$0x8200] =	vst v63  }
.LBB2_4:
0x69: {  	p0 =	sgt.u32 s18, $0x2F  }
0x6a: {  	s19 =	sadd.s32 @!p0 $0x2, s18  }
0x6b: {  	s20 =	smul.u32 @!p0 $0xAB, s19;
	_ =	sdelay $0x1  }
0x6c: {  	s20 =	sshrl.u32 @!p0 s20, $0x9  }
0x6d: {  	s20 =	sand.u32 @!p0 $0x7F, s20  }
0x6e: {  	s20 =	smul.u32 @!p0 $0x3, s20;
	_ =	sdelay $0x1  }
0x6f: {  	_ =	swait.ge [sflag:s12], $0x1000;
	s24 =	smulhi.u32 $0xAAAAAAAB, s18;
	s20 =	ssub.s32 @!p0 s19, s20  }
0x70: {  	[sflag:s12] =	ssyncset.done $0x0;
	s19 =	sshll.u32 @!p0 s19, $0x7;
	s20 =	sand.u32 @!p0 $0xFF, s20  }
0x71: {  	s21 =	simm.s32 @!p0 $0x80;
	s19 =	sand.u32 @!p0 $0x3FFFFF80, s19;
	s20 =	sshll.u32 @!p0 s20, $0xC  }
0x72: {  	[sflag:s12] =	ssyncadd.s32 $0xFFFFF000;
	s19 =	sadd.s32 @!p0 $0x1900, s19;
	s20 =	sadd.s32 @!p0 $0x3200, s20  }
0x73: {  	[tilespmem:s20], [sflag:$0x1] =	stream.indirect.gather @!p0 [hbm4b:s3+s21], $0x20, s19, s21, $0xb8;
	[tilespmem:$0x8200] =	vst v63  }
0x74: {  	s19 =	sshrl.u32 s24, $0x1  }
0x75: {  	s19 =	smul.u32 $0xFFFF4000, s19;
	_ =	sdelay $0x1  }
0x76: {  	s19 =	sshra.s32 s19, $0x2  }
0x77: {  	s19 =	sadd.s32 s19, s17  }
0x78: {  	s25 =	simm.s32 $0x0;
	p1 =	slt.u32 @!p0 s18, $0x2;
	v3 =	vmov s19  }
0x79: {  	v4 =	vmov s25;
	p0 =	por p0, !p1  }
0x7a: {  	v4 =	vand.u32 $0x7C, v4;
	_ =	swait.ge @p0 [sflag:s13], $0x1000  }
0x7b: {  	v4 =	vbroadcast v4, $0x0;
	[sflag:s13] =	ssyncset.done @p0 $0x0  }
0x7c: {  	s26 =	simm.s32 $0x0;
	[sflag:s13] =	ssyncadd.s32 @p0 $0xFFFFF000  }
0x7d: {  	v6 =	vor.u32 v0, v4;
	v5 =	vld.idx.msk [tilespmem:v3+s26+$0x0 ss:$0x1], $0xffff  }
0x7e: {  	v4 =	vor.u32 v2, v4;
	v7 =	vld.idx.msk [tilespmem:v3+s26+$0x10 ss:$0x1], $0xffff  }
0x7f: {  	s28 =	sshll.u32 s18, $0xC;
	s29 =	simm.s32 $0x1  }
0x80: {  	v8 =	vmov s29;
	s19 =	sand.u32 $0x1000, s28  }
0x81: {  	v8 =	vand.u32 $0x7D, v8;
	s19 =	sor.u32 $0x6200, s19  }
0x82: {  	[tilespmem:v6+s19+$0x0] =	vst.idx.msk $0xffff, v5;
	v5 =	vbroadcast v8, $0x0  }
0x83: {  	[tilespmem:v4+s19+$0x0] =	vst.idx.msk $0xffff, v7  }
0x84: {  	v4 =	vld.idx.msk [tilespmem:v3+s26+$0x20 ss:$0x1], $0xffff;
	v6 =	vor.u32 v0, v5  }
0x85: {  	v7 =	vld.idx.msk [tilespmem:v3+s26+$0x30 ss:$0x1], $0xffff;
	v5 =	vor.u32 v2, v5  }
0x86: {  	s30 =	simm.s32 $0x2  }
0x87: {  	v8 =	vmov s30  }
0x88: {  	v8 =	vand.u32 $0x7E, v8  }
0x89: {  	[tilespmem:v6+s19+$0x0] =	vst.idx.msk $0xffff, v4;
	v4 =	vbroadcast v8, $0x0  }
0x8a: {  	[tilespmem:v5+s19+$0x0] =	vst.idx.msk $0xffff, v7  }
0x8b: {  	v5 =	vld.idx.msk [tilespmem:v3+s26+$0x40 ss:$0x1], $0xffff;
	v6 =	vor.u32 v0, v4  }
0x8c: {  	v7 =	vld.idx.msk [tilespmem:v3+s26+$0x50 ss:$0x1], $0xffff;
	v4 =	vor.u32 v2, v4  }
0x8d: {  	s31 =	simm.s32 $0x3  }
0x8e: {  	v8 =	vmov s31  }
0x8f: {  	v8 =	vand.u32 $0x7F, v8  }
0x90: {  	[tilespmem:v6+s19+$0x0] =	vst.idx.msk $0xffff, v5;
	v5 =	vbroadcast v8, $0x0  }
0x91: {  	[tilespmem:v4+s19+$0x0] =	vst.idx.msk $0xffff, v7  }
0x92: {  	v7 =	vld.idx.msk [tilespmem:v3+s26+$0x60 ss:$0x1], $0xffff;
	v8 =	vor.u32 v0, v5  }
0x93: {  	v4 =	vld.idx.msk [tilespmem:v3+s26+$0x70 ss:$0x1], $0xffff;
	v5 =	vor.u32 v2, v5;
	_ =	sdelay $0x1  }
0x94: {  	s22 =	simm.s32 $0x4  }
0x95: {  	v6 =	vmov s22  }
0x96: {  	s23 =	simm.s32 $0x400;
	s20 =	sshll.u32 s18, $0xE;
	s21 =	simm.s32 $0x80;
	v6 =	vand.u32 $0x7C, v6;
	[tilespmem:v8+s19+$0x0] =	vst.idx.msk $0xffff, v7  }
.LBB2_5:
0x97: {  	s24 =	sshra.s32 s23, $0x2;
	p0 =	sne.s32 s23, $0x3E00;
	s23 =	sadd.s32 $0x200, s23;
	v6 =	vbroadcast v6, $0x0;
	[tilespmem:v5+s19+$0x0] =	vst.idx.msk $0xffff, v4  }
0x98: {  	v4 =	vld.idx.msk [tilespmem:v3+s21+$0x0 ss:$0x1], $0xffff  }
0x99: {  	v5 =	vld.idx.msk [tilespmem:v3+s21+$0x10 ss:$0x1], $0xffff;
	v7 =	vor.u32 v0, v6  }
0x9a: {  	v6 =	vor.u32 v2, v6;
	_ =	sdelay $0x1  }
0x9b: {  	s25 =	sadd.s32 $0x1, s22  }
0x9c: {  	v8 =	vmov s25  }
0x9d: {  	[tilespmem:v7+s19+$0x0] =	vst.idx.msk $0xffff, v4;
	v4 =	vand.u32 $0x7D, v8  }
0x9e: {  	[tilespmem:v6+s19+$0x0] =	vst.idx.msk $0xffff, v5;
	v4 =	vbroadcast v4, $0x0  }
0x9f: {  	v5 =	vld.idx.msk [tilespmem:v3+s21+$0x20 ss:$0x1], $0xffff  }
0xa0: {  	v6 =	vld.idx.msk [tilespmem:v3+s21+$0x30 ss:$0x1], $0xffff;
	v7 =	vor.u32 v0, v4  }
0xa1: {  	v4 =	vor.u32 v2, v4;
	_ =	sdelay $0x1  }
0xa2: {  	s25 =	sadd.s32 $0x2, s22  }
0xa3: {  	v8 =	vmov s25  }
0xa4: {  	[tilespmem:v7+s19+$0x0] =	vst.idx.msk $0xffff, v5;
	v5 =	vand.u32 $0x7E, v8  }
0xa5: {  	[tilespmem:v4+s19+$0x0] =	vst.idx.msk $0xffff, v6;
	v4 =	vbroadcast v5, $0x0  }
0xa6: {  	v5 =	vld.idx.msk [tilespmem:v3+s21+$0x40 ss:$0x1], $0xffff  }
0xa7: {  	v6 =	vld.idx.msk [tilespmem:v3+s21+$0x50 ss:$0x1], $0xffff;
	v7 =	vor.u32 v0, v4  }
0xa8: {  	v4 =	vor.u32 v2, v4;
	_ =	sdelay $0x1  }
0xa9: {  	s25 =	sadd.s32 $0x3, s22  }
0xaa: {  	v8 =	vmov s25  }
0xab: {  	[tilespmem:v7+s19+$0x0] =	vst.idx.msk $0xffff, v5;
	v5 =	vand.u32 $0x7F, v8  }
0xac: {  	[tilespmem:v4+s19+$0x0] =	vst.idx.msk $0xffff, v6;
	v5 =	vbroadcast v5, $0x0  }
0xad: {  	v7 =	vld.idx.msk [tilespmem:v3+s21+$0x60 ss:$0x1], $0xffff  }
0xae: {  	v4 =	vld.idx.msk [tilespmem:v3+s21+$0x70 ss:$0x1], $0xffff;
	v8 =	vor.u32 v0, v5;
	s21 =	smov.u32 s24  }
.Ltmp1:
0xaf: {  	v5 =	vor.u32 v2, v5;
	(pc) =	sbr.rel @p0 .LBB2_5-.Ltmp1, $4  }
0xb0: {  	_ = 	snop  }
0xb1: {  	s22 =	sadd.s32 $0x4, s22  }
0xb2: {  	v6 =	vmov s22  }
0xb3: {  	v6 =	vand.u32 $0x7C, v6;
	[tilespmem:v8+s19+$0x0] =	vst.idx.msk $0xffff, v7  }
0xb4: {  	_ =	sdelay $0x2  }
0xb5: {  	v6 =	vbroadcast v6, $0x0  }
0xb6: {  	[tilespmem:v5+s19+$0x0] =	vst.idx.msk $0xffff, v4  }
0xb7: {  	v4 =	vld.idx.msk [tilespmem:v3+s21+$0x0 ss:$0x1], $0xffff;
	v55 =	vor.u32 v0, v6  }
0xb8: {  	v7 =	vld.idx.msk [tilespmem:v3+s21+$0x10 ss:$0x1], $0xffff;
	v6 =	vor.u32 v2, v6  }
0xb9: {  	s23 =	sadd.s32 $0x1, s22  }
0xba: {  	v8 =	vmov s23  }
0xbb: {  	v8 =	vand.u32 $0x7D, v8  }
0xbc: {  	v56 =	vbroadcast v8, $0x0;
	[tilespmem:v55+s19+$0x0] =	vst.idx.msk $0xffff, v4  }
0xbd: {  	[tilespmem:v6+s19+$0x0] =	vst.idx.msk $0xffff, v7  }
0xbe: {  	v57 =	vor.u32 v0, v56;
	v5 =	vld.idx.msk [tilespmem:v3+s21+$0x20 ss:$0x1], $0xffff  }
0xbf: {  	v4 =	vor.u32 v2, v56;
	v7 =	vld.idx.msk [tilespmem:v3+s21+$0x30 ss:$0x1], $0xffff  }
0xc0: {  	s30 =	sadd.s32 $0x2, s22  }
0xc1: {  	v58 =	vmov s30  }
0xc2: {  	v8 =	vand.u32 $0x7E, v58  }
0xc3: {  	v59 =	vbroadcast v8, $0x0;
	[tilespmem:v57+s19+$0x0] =	vst.idx.msk $0xffff, v5  }
0xc4: {  	[tilespmem:v4+s19+$0x0] =	vst.idx.msk $0xffff, v7  }
0xc5: {  	v60 =	vor.u32 v0, v59;
	v4 =	vld.idx.msk [tilespmem:v3+s21+$0x40 ss:$0x1], $0xffff  }
0xc6: {  	v5 =	vor.u32 v2, v59;
	v7 =	vld.idx.msk [tilespmem:v3+s21+$0x50 ss:$0x1], $0xffff  }
0xc7: {  	s31 =	sadd.s32 $0x3, s22  }
0xc8: {  	v61 =	vmov s31  }
0xc9: {  	v8 =	vand.u32 $0x7F, v61  }
0xca: {  	v62 =	vbroadcast v8, $0x0;
	[tilespmem:v60+s19+$0x0] =	vst.idx.msk $0xffff, v4  }
0xcb: {  	[tilespmem:v5+s19+$0x0] =	vst.idx.msk $0xffff, v7  }
0xcc: {  	v63 =	vor.u32 v0, v62;
	v5 =	vld.idx.msk [tilespmem:v3+s21+$0x60 ss:$0x1], $0xffff  }
0xcd: {  	s18 =	sadd.s32 $0x1, s18;
	v4 =	vor.u32 v2, v62;
	v3 =	vld.idx.msk [tilespmem:v3+s21+$0x70 ss:$0x1], $0xffff  }
0xce: {  	p0 =	sne.s32 s18, $0x32  }
.Ltmp2:
0xcf: {  	_ = 	snop;
	(pc) =	sbr.rel @p0 .LBB2_4-.Ltmp2, $4  }
0xd0: {  	_ = 	snop  }
0xd1: {  	[tilespmem:v63+s19+$0x0] =	vst.idx.msk $0xffff, v5  }
0xd2: {  	s20 =	sadd.s32 s20, s5;
	s17 =	sadd.s32 $0x1000, s17;
	[tilespmem:v4+s19+$0x0] =	vst.idx.msk $0xffff, v3  }
0xd3: {  	[hbm4b:s20+s14] =	stream.strided.scatter [tilespmem:s19], [sflag:$0x2], $0x1000, s15, s14, $0x38;
	[tilespmem:$0x8200] =	vst v63  }
0xd4: {  	s16 =	sadd.s32 $0x1, s16  }
0xd5: {  	_ =	swait.ge [sflag:s13], $0x1000;
	p0 =	sne.s32 s16, s6  }
.Ltmp3:
0xd6: {  	[sflag:s13] =	ssyncset.done $0x0;
	(pc) =	sbr.rel @p0 .LBB2_1-.Ltmp3, $4  }
0xd7: {  	[sflag:s13] =	ssyncadd.s32 $0xFFFFF000  }
0xd8: {  	_ =	swait.ge [sflag:s13], $0x1000  }
0xd9: {  	[sflag:s13] =	ssyncset.done $0x0  }
0xda: {  	[sflag:s13] =	ssyncadd.s32 $0xFFFFF000  }
0xdb: {  	_ =	sfence.sel $0x180000  }
0xdc: {  	[bflag:$0x0] =	sbarrier.arrive $0xFFFF  }
0xdd: {  	p0 =	sne.s32 s0, $0x0;
	_ =	strace $0x90000047  }
0xde: {  	s0 =	sadd.s32 @!p0 $0x100000, s1;
	[bflag:$0x2] =	sbarrier.arrive $0xFFFF  }
0xdf: {  	[sflag:s0] =	ssyncadd.tile.s32 @!p0 $0x1;
	_ =	shalt  }
.Lfunc_end2:
_tile_overlayer_lowered:
.L_overlay_start_2:
0xe0: {  	(tag) =	ssettag $0x2  }
0xe1: {  	s0 =	rddreg [dreg:$0x0];
	s2 =	stileid.u32  }
0xe2: {  	s1 =	rddreg [dreg:$0x1];
	p0 =	sne.s32 s2, $0x0  }
0xe3: {  	s3 =	rddreg [dreg:$0x2];
	[bflag:$0x3] =	sbarrier.arrive $0xFFFF;
	s2 =	simm.s32 @!p0 $0x1C03  }
0xe4: {  	[timem:s3], [sflag:s2] =	dma.local @!p0 [hbm:s0], s1  }
0xe5: {  	s0 =	simm.s32 @!p0 $0x3  }
0xe6: {  	_ =	swait.ge @!p0 [sflag:s0], s1  }
0xe7: {  	s1 =	ssub.s32 @!p0 $0x0, s1;
	[sflag:s0] =	ssyncset.done @!p0 $0x0  }
0xe8: {  	[sflag:s0] =	ssyncadd.s32 @!p0 s1  }
0xe9: {  	[bflag:$0x3] =	sbarrier.arrive $0xFFFF  }
0xea: {  	_ =	shalt  }

</sc_bundles>
